<compile_context>
chip_gen: v7x
topology: tpu7x:2x2x1
jax: 0.10.2.dev20260603
libtpu: 0.0.44.dev20260713+nightly
codegen_flags: <defaults>
</compile_context>

<pallas_src>
import functools

import jax
import jax.numpy as jnp
from jax import lax
from jax.experimental import pallas as pl
from jax.experimental.pallas import tpu as pltpu
from jax.experimental.pallas import tpu_sc as plsc

VOCAB_SZ = 100000
TABLE_SZ = 1000000
NUM_ALT = 4
NTOK = 16384
PSEUDO_CT = 5.0

NWORKERS = 32
CHUNK = NTOK // NWORKERS
NVEC = CHUNK // 16
FLAT = NUM_ALT * CHUNK

_LN2 = 0.6931471805599453
_SQRT2_HALF_BITS = 0x3F3504F3


def _ln(x):
    bits = lax.bitcast_convert_type(x, jnp.int32)
    e = lax.shift_right_arithmetic(bits - _SQRT2_HALF_BITS, 23)
    m = lax.bitcast_convert_type(bits - lax.shift_left(e, 23), jnp.float32)
    s = (m - 1.0) / (m + 1.0)
    z = s * s
    poly = s * (2.0 + z * (2.0 / 3.0 + z * 0.4))
    return e.astype(jnp.float32) * _LN2 + poly


def _mod_table(x):
    q = (x.astype(jnp.float32) * (1.0 / TABLE_SZ)).astype(jnp.int32)
    r = x - q * TABLE_SZ
    r = jnp.where(r < 0, r + TABLE_SZ, r)
    return jnp.where(r >= TABLE_SZ, r - TABLE_SZ, r)


_MESH = plsc.VectorSubcoreMesh(core_axis_name="c", subcore_axis_name="s")


@functools.partial(
    pl.kernel,
    mesh=_MESH,
    out_type=jax.ShapeDtypeStruct((NUM_ALT, NTOK), jnp.float32),
    scratch_types=[
        pltpu.VMEM((CHUNK,), jnp.int32),
        pltpu.VMEM((CHUNK,), jnp.int32),
        pltpu.VMEM((CHUNK,), jnp.int32),
        pltpu.VMEM((FLAT,), jnp.int32),
        pltpu.VMEM((FLAT,), jnp.int32),
        pltpu.VMEM((FLAT,), jnp.int32),
        pltpu.VMEM((FLAT,), jnp.int32),
        pltpu.VMEM((FLAT,), jnp.float32),
        pltpu.VMEM((FLAT,), jnp.float32),
        pltpu.VMEM((FLAT,), jnp.float32),
        pltpu.VMEM((FLAT,), jnp.float32),
        pltpu.VMEM((FLAT,), jnp.float32),
        pltpu.SemaphoreType.DMA,
        pltpu.SemaphoreType.DMA,
        pltpu.SemaphoreType.DMA,
    ],
)
def _score_kernel(tok_hbm, prev_hbm, nxt_hbm,
                  cas0_hbm, cas1_hbm, cas2_hbm, cas3_hbm,
                  uni_hbm, bb_hbm, bf_hbm, tri_hbm, out_hbm,
                  tok_v, prev_v, nxt_v,
                  uidx_v, bbidx_v, bfidx_v, tridx_v,
                  uval_v, bbval_v, bfval_v, trval_v,
                  outb_v, isem, gsem, osem):
    wid = lax.axis_index("s") * 2 + lax.axis_index("c")
    base = wid * CHUNK

    tcp = pltpu.async_copy(tok_hbm.at[pl.ds(base, CHUNK)], tok_v, isem)
    tcp.wait()
    pcp = pltpu.async_copy(prev_hbm.at[pl.ds(base, CHUNK)], prev_v, isem)
    ncp = pltpu.async_copy(nxt_hbm.at[pl.ds(base, CHUNK)], nxt_v, isem)

    ccp = [
        pltpu.async_copy(cas_hbm.at[tok_v],
                         uidx_v.at[pl.ds(a * CHUNK, CHUNK)], isem)
        for a, cas_hbm in enumerate(
            (cas0_hbm, cas1_hbm, cas2_hbm, cas3_hbm))
    ]
    pcp.wait()
    ncp.wait()
    for c in ccp:
        c.wait()

    ucp = pltpu.async_copy(uni_hbm.at[uidx_v], uval_v, gsem)

    def _hash(i, carry):
        off = i * 16
        p = prev_v[pl.ds(off, 16)]
        nx = nxt_v[pl.ds(off, 16)]
        pm = p * 1000003
        n97 = nx * 97
        n31337 = nx * 31337
        for a in range(NUM_ALT):
            fo = a * CHUNK + off
            alt = uidx_v[pl.ds(fo, 16)]
            q = pm + alt * 97
            bbidx_v[pl.ds(fo, 16)] = _mod_table(jnp.abs(q))
            tridx_v[pl.ds(fo, 16)] = _mod_table(jnp.abs(q + n31337))
            bfidx_v[pl.ds(fo, 16)] = (
                _mod_table(jnp.abs(alt * 1000003 + n97)))
        return carry

    lax.fori_loop(0, NVEC, _hash, 0)

    copies = [
        ucp,
        pltpu.async_copy(bb_hbm.at[bbidx_v], bbval_v, gsem),
        pltpu.async_copy(bf_hbm.at[bfidx_v], bfval_v, gsem),
        pltpu.async_copy(tri_hbm.at[tridx_v], trval_v, gsem),
    ]
    for c in copies:
        c.wait()

    def _score(i, carry):
        off = i * 16
        u, b1, b2, t = [], [], [], []
        for a in range(NUM_ALT):
            fo = a * CHUNK + off
            u.append(uval_v[pl.ds(fo, 16)] + PSEUDO_CT)
            b1.append(bbval_v[pl.ds(fo, 16)] + PSEUDO_CT)
            b2.append(bfval_v[pl.ds(fo, 16)] + PSEUDO_CT)
            t.append(trval_v[pl.ds(fo, 16)] + PSEUDO_CT)
        su = (u[0] + u[1]) + (u[2] + u[3])
        sb1 = (b1[0] + b1[1]) + (b1[2] + b1[3])
        sb2 = (b2[0] + b2[1]) + (b2[2] + b2[3])
        st = (t[0] + t[1]) + (t[2] + t[3])
        den = _ln((su * sb1) * (sb2 * st))
        for a in range(NUM_ALT):
            num = _ln((u[a] * b1[a]) * (b2[a] * t[a]))
            outb_v[pl.ds(a * CHUNK + off, 16)] = num - den
        return carry

    lax.fori_loop(0, NVEC, _score, 0)

    ocp = [
        pltpu.async_copy(outb_v.at[pl.ds(a * CHUNK, CHUNK)],
                         out_hbm.at[a, pl.ds(base, CHUNK)], osem)
        for a in range(NUM_ALT)
    ]
    for c in ocp:
        c.wait()


def kernel(tokens, casing_lookup, uni_counts, bi_back_counts,
           bi_fwd_counts, tri_counts):
    prev = jnp.concatenate([tokens[:1], tokens[:-1]])
    nxt = jnp.concatenate([tokens[1:], tokens[-1:]])
    out = _score_kernel(tokens, prev, nxt,
                        casing_lookup[:, 0], casing_lookup[:, 1],
                        casing_lookup[:, 2], casing_lookup[:, 3],
                        uni_counts, bi_back_counts, bi_fwd_counts,
                        tri_counts)
    return out.T

# --- scband reference (transcript-rebuilt; emitter-appended) ---
"""Pipeline reference for scband-my-model-87522843561151 (READ-ONLY COPY).

The authoritative reference and input builder live on the scoring server;
editing this copy changes nothing except your own understanding.
"""

import jax, jax.numpy as jnp
import numpy as np

VOCAB = 100000
TABLE = 1000000
A = 4
N = 16384
PSEUDO = 5.0


def setup_inputs(seed: int = 0) -> dict:
    key = jax.random.key(seed)
    k1, k2, k3, k4, k5, k6 = jax.random.split(key, 6)
    tokens = jax.random.randint(k1, (N,), 0, VOCAB, dtype=jnp.int32)
    # dense analog of word_casing_lookup: each token id maps to A alternative casing ids
    casing_lookup = jax.random.randint(k2, (VOCAB, A), 0, VOCAB, dtype=jnp.int32)
    # count tables (analogs of tf.lookup.StaticHashTable n-gram count dists)
    uni_counts = jax.random.uniform(k3, (VOCAB,), dtype=jnp.float32) * 100.0
    bi_back_counts = jax.random.uniform(k4, (TABLE,), dtype=jnp.float32) * 100.0
    bi_fwd_counts = jax.random.uniform(k5, (TABLE,), dtype=jnp.float32) * 100.0
    tri_counts = jax.random.uniform(k6, (TABLE,), dtype=jnp.float32) * 100.0
    return {
        "tokens": tokens,
        "casing_lookup": casing_lookup,
        "uni_counts": uni_counts,
        "bi_back_counts": bi_back_counts,
        "bi_fwd_counts": bi_fwd_counts,
        "tri_counts": tri_counts,
    }


def _h2(a, b):
    return jnp.abs(a * 1000003 + b * 97) % TABLE


def _h3(a, b, c):
    return jnp.abs(a * 1000003 + b * 97 + c * 31337) % TABLE


def reference(tokens, casing_lookup, uni_counts, bi_back_counts, bi_fwd_counts, tri_counts):
    # prev/next context tokens (analog of prev_token / next_token in get_score)
    prev = jnp.concatenate([tokens[:1], tokens[:-1]])
    nxt = jnp.concatenate([tokens[1:], tokens[-1:]])
    # alternative casing candidates for every token: embedding-style gather [N, A]
    alts = jnp.take(casing_lookup, tokens, axis=0)

    # unigram score: (count(x)+p) / sum_alt (count(alt)+p)
    uni = jnp.take(uni_counts, alts, axis=0) + PSEUDO  # [N, A]
    uni_score = uni / jnp.sum(uni, axis=1, keepdims=True)

    # backward bigram score: key = prev_token + '_' + candidate  (hashed)
    bb = jnp.take(bi_back_counts, _h2(prev[:, None], alts), axis=0) + PSEUDO
    bb_score = bb / jnp.sum(bb, axis=1, keepdims=True)

    # forward bigram score: key = candidate + '_' + next_token (hashed)
    bf = jnp.take(bi_fwd_counts, _h2(alts, nxt[:, None]), axis=0) + PSEUDO
    bf_score = bf / jnp.sum(bf, axis=1, keepdims=True)

    # trigram score: key = prev + '_' + candidate + '_' + next (hashed)
    tri = jnp.take(tri_counts, _h3(prev[:, None], alts, nxt[:, None]), axis=0) + PSEUDO
    tri_score = tri / jnp.sum(tri, axis=1, keepdims=True)

    # get_score: sum of log scores; argmax over alternatives picks the truecased token
    scores = (jnp.log(uni_score) + jnp.log(bb_score)
              + jnp.log(bf_score) + jnp.log(tri_score))  # [N, A]
    return scores

if __name__ == "__main__":
    import jax
    _d = setup_inputs()
    print(jax.jit(kernel)(*tuple(_d.values())))

</pallas_src>

<mosaic_0001>
#map = affine_map<(d0, d1) -> (0)>
#map1 = affine_map<(d0, d1) -> (0, 0)>
module attributes {stable_mosaic.version = 14 : i64} {
  func.func @_score_kernel(%arg0: i32, %arg1: i32, %arg2: memref<16384xi32, #tpu.memory_space<hbm>>, %arg3: memref<16384xi32, #tpu.memory_space<hbm>>, %arg4: memref<16384xi32, #tpu.memory_space<hbm>>, %arg5: memref<100000xi32, #tpu.memory_space<hbm>>, %arg6: memref<100000xi32, #tpu.memory_space<hbm>>, %arg7: memref<100000xi32, #tpu.memory_space<hbm>>, %arg8: memref<100000xi32, #tpu.memory_space<hbm>>, %arg9: memref<100000xf32, #tpu.memory_space<hbm>>, %arg10: memref<1000000xf32, #tpu.memory_space<hbm>>, %arg11: memref<1000000xf32, #tpu.memory_space<hbm>>, %arg12: memref<1000000xf32, #tpu.memory_space<hbm>>, %arg13: memref<4x16384xf32, #tpu.memory_space<hbm>>, %arg14: memref<512xi32, #tpu.memory_space<vmem>>, %arg15: memref<512xi32, #tpu.memory_space<vmem>>, %arg16: memref<512xi32, #tpu.memory_space<vmem>>, %arg17: memref<2048xi32, #tpu.memory_space<vmem>>, %arg18: memref<2048xi32, #tpu.memory_space<vmem>>, %arg19: memref<2048xi32, #tpu.memory_space<vmem>>, %arg20: memref<2048xi32, #tpu.memory_space<vmem>>, %arg21: memref<2048xf32, #tpu.memory_space<vmem>>, %arg22: memref<2048xf32, #tpu.memory_space<vmem>>, %arg23: memref<2048xf32, #tpu.memory_space<vmem>>, %arg24: memref<2048xf32, #tpu.memory_space<vmem>>, %arg25: memref<2048xf32, #tpu.memory_space<vmem>>, %arg26: memref<!tpu.dma_semaphore, #tpu.memory_space<semaphore_mem>>, %arg27: memref<!tpu.dma_semaphore, #tpu.memory_space<semaphore_mem>>, %arg28: memref<!tpu.dma_semaphore, #tpu.memory_space<semaphore_mem>>) attributes {dimension_semantics = [#tpu.dimension_semantics<core_parallel>, #tpu.dimension_semantics<subcore_parallel>], iteration_bounds = array<i64: 2, 16>, scalar_prefetch = 0 : i64, scratch_operands = 15 : i64, tpu.core_type = #tpu.core_type<sc_vector_subcore>, window_params = [{transform_indices = #map}, {transform_indices = #map}, {transform_indices = #map}, {transform_indices = #map}, {transform_indices = #map}, {transform_indices = #map}, {transform_indices = #map}, {transform_indices = #map}, {transform_indices = #map}, {transform_indices = #map}, {transform_indices = #map}, {transform_indices = #map1}]} {
    %mul3A = arith.constant 2 : i32
    %mul3A_0 = arith.muli %arg1, %mul3A : i32
    %add3A = arith.addi %mul3A_0, %arg0 : i32
    %mul3A_1 = arith.constant 512 : i32
    %mul3A_2 = arith.muli %add3A, %mul3A_1 : i32
    %dma_start3A = tpu.memref_slice %arg2[%mul3A_2] : memref<16384xi32, #tpu.memory_space<hbm>> -> memref<512xi32, #tpu.memory_space<hbm>>
    %dma_start3A_3 = tpu.memref_slice %arg2[%mul3A_2] : memref<16384xi32, #tpu.memory_space<hbm>> -> memref<512xi32, #tpu.memory_space<hbm>>
    tpu.enqueue_dma source(%dma_start3A_3 : memref<512xi32, #tpu.memory_space<hbm>>) target(%arg14 : memref<512xi32, #tpu.memory_space<vmem>>) target_semaphore(%arg26 : memref<!tpu.dma_semaphore, #tpu.memory_space<semaphore_mem>>)
    %dma_wait3A = tpu.memref_slice %arg2[%mul3A_2] : memref<16384xi32, #tpu.memory_space<hbm>> -> memref<512xi32, #tpu.memory_space<hbm>>
    %dma_wait3A_4 = tpu.memref_slice %arg2[%mul3A_2] : memref<16384xi32, #tpu.memory_space<hbm>> -> memref<512xi32, #tpu.memory_space<hbm>>
    tpu.wait_dma2 semaphore(%arg26 : memref<!tpu.dma_semaphore, #tpu.memory_space<semaphore_mem>>) src(%dma_wait3A_4 : memref<512xi32, #tpu.memory_space<hbm>>) dst(%arg14 : memref<512xi32, #tpu.memory_space<vmem>>)
    %dma_start3A_5 = tpu.memref_slice %arg3[%mul3A_2] : memref<16384xi32, #tpu.memory_space<hbm>> -> memref<512xi32, #tpu.memory_space<hbm>>
    %dma_start3A_6 = tpu.memref_slice %arg3[%mul3A_2] : memref<16384xi32, #tpu.memory_space<hbm>> -> memref<512xi32, #tpu.memory_space<hbm>>
    tpu.enqueue_dma source(%dma_start3A_6 : memref<512xi32, #tpu.memory_space<hbm>>) target(%arg15 : memref<512xi32, #tpu.memory_space<vmem>>) target_semaphore(%arg26 : memref<!tpu.dma_semaphore, #tpu.memory_space<semaphore_mem>>)
    %dma_start3A_7 = tpu.memref_slice %arg4[%mul3A_2] : memref<16384xi32, #tpu.memory_space<hbm>> -> memref<512xi32, #tpu.memory_space<hbm>>
    %dma_start3A_8 = tpu.memref_slice %arg4[%mul3A_2] : memref<16384xi32, #tpu.memory_space<hbm>> -> memref<512xi32, #tpu.memory_space<hbm>>
    tpu.enqueue_dma source(%dma_start3A_8 : memref<512xi32, #tpu.memory_space<hbm>>) target(%arg16 : memref<512xi32, #tpu.memory_space<vmem>>) target_semaphore(%arg26 : memref<!tpu.dma_semaphore, #tpu.memory_space<semaphore_mem>>)
    %dma_start3A_9 = arith.constant 0 : i32
    %dma_start3A_10 = tpu.memref_slice %arg17[%dma_start3A_9] : memref<2048xi32, #tpu.memory_space<vmem>> -> memref<512xi32, #tpu.memory_space<vmem>>
    %dma_start3A_11 = arith.constant 0 : i32
    %dma_start3A_12 = tpu.memref_slice %arg5[%dma_start3A_11] : memref<100000xi32, #tpu.memory_space<hbm>> -> memref<100000xi32, #tpu.memory_space<hbm>>
    tpu.enqueue_indirect_dma source(%dma_start3A_12 : memref<100000xi32, #tpu.memory_space<hbm>>) target(%dma_start3A_10 : memref<512xi32, #tpu.memory_space<vmem>>) offsets(%arg14 : memref<512xi32, #tpu.memory_space<vmem>>) semaphore(%arg26 : memref<!tpu.dma_semaphore, #tpu.memory_space<semaphore_mem>>)
    %dma_start3A_13 = arith.constant 512 : i32
    %dma_start3A_14 = tpu.memref_slice %arg17[%dma_start3A_13] : memref<2048xi32, #tpu.memory_space<vmem>> -> memref<512xi32, #tpu.memory_space<vmem>>
    %dma_start3A_15 = arith.constant 0 : i32
    %dma_start3A_16 = tpu.memref_slice %arg6[%dma_start3A_15] : memref<100000xi32, #tpu.memory_space<hbm>> -> memref<100000xi32, #tpu.memory_space<hbm>>
    tpu.enqueue_indirect_dma source(%dma_start3A_16 : memref<100000xi32, #tpu.memory_space<hbm>>) target(%dma_start3A_14 : memref<512xi32, #tpu.memory_space<vmem>>) offsets(%arg14 : memref<512xi32, #tpu.memory_space<vmem>>) semaphore(%arg26 : memref<!tpu.dma_semaphore, #tpu.memory_space<semaphore_mem>>)
    %dma_start3A_17 = arith.constant 1024 : i32
    %dma_start3A_18 = tpu.memref_slice %arg17[%dma_start3A_17] : memref<2048xi32, #tpu.memory_space<vmem>> -> memref<512xi32, #tpu.memory_space<vmem>>
    %dma_start3A_19 = arith.constant 0 : i32
    %dma_start3A_20 = tpu.memref_slice %arg7[%dma_start3A_19] : memref<100000xi32, #tpu.memory_space<hbm>> -> memref<100000xi32, #tpu.memory_space<hbm>>
    tpu.enqueue_indirect_dma source(%dma_start3A_20 : memref<100000xi32, #tpu.memory_space<hbm>>) target(%dma_start3A_18 : memref<512xi32, #tpu.memory_space<vmem>>) offsets(%arg14 : memref<512xi32, #tpu.memory_space<vmem>>) semaphore(%arg26 : memref<!tpu.dma_semaphore, #tpu.memory_space<semaphore_mem>>)
    %dma_start3A_21 = arith.constant 1536 : i32
    %dma_start3A_22 = tpu.memref_slice %arg17[%dma_start3A_21] : memref<2048xi32, #tpu.memory_space<vmem>> -> memref<512xi32, #tpu.memory_space<vmem>>
    %dma_start3A_23 = arith.constant 0 : i32
    %dma_start3A_24 = tpu.memref_slice %arg8[%dma_start3A_23] : memref<100000xi32, #tpu.memory_space<hbm>> -> memref<100000xi32, #tpu.memory_space<hbm>>
    tpu.enqueue_indirect_dma source(%dma_start3A_24 : memref<100000xi32, #tpu.memory_space<hbm>>) target(%dma_start3A_22 : memref<512xi32, #tpu.memory_space<vmem>>) offsets(%arg14 : memref<512xi32, #tpu.memory_space<vmem>>) semaphore(%arg26 : memref<!tpu.dma_semaphore, #tpu.memory_space<semaphore_mem>>)
    %dma_wait3A_25 = tpu.memref_slice %arg3[%mul3A_2] : memref<16384xi32, #tpu.memory_space<hbm>> -> memref<512xi32, #tpu.memory_space<hbm>>
    %dma_wait3A_26 = tpu.memref_slice %arg3[%mul3A_2] : memref<16384xi32, #tpu.memory_space<hbm>> -> memref<512xi32, #tpu.memory_space<hbm>>
    tpu.wait_dma2 semaphore(%arg26 : memref<!tpu.dma_semaphore, #tpu.memory_space<semaphore_mem>>) src(%dma_wait3A_26 : memref<512xi32, #tpu.memory_space<hbm>>) dst(%arg15 : memref<512xi32, #tpu.memory_space<vmem>>)
    %dma_wait3A_27 = tpu.memref_slice %arg4[%mul3A_2] : memref<16384xi32, #tpu.memory_space<hbm>> -> memref<512xi32, #tpu.memory_space<hbm>>
    %dma_wait3A_28 = tpu.memref_slice %arg4[%mul3A_2] : memref<16384xi32, #tpu.memory_space<hbm>> -> memref<512xi32, #tpu.memory_space<hbm>>
    tpu.wait_dma2 semaphore(%arg26 : memref<!tpu.dma_semaphore, #tpu.memory_space<semaphore_mem>>) src(%dma_wait3A_28 : memref<512xi32, #tpu.memory_space<hbm>>) dst(%arg16 : memref<512xi32, #tpu.memory_space<vmem>>)
    %dma_wait3A_29 = arith.constant 0 : i32
    %dma_wait3A_30 = tpu.memref_slice %arg17[%dma_wait3A_29] : memref<2048xi32, #tpu.memory_space<vmem>> -> memref<512xi32, #tpu.memory_space<vmem>>
    %dma_wait3A_31 = arith.constant 0 : i32
    %dma_wait3A_32 = tpu.memref_slice %arg5[%dma_wait3A_31] : memref<100000xi32, #tpu.memory_space<hbm>> -> memref<100000xi32, #tpu.memory_space<hbm>>
    tpu.wait_indirect_dma semaphore(%arg26 : memref<!tpu.dma_semaphore, #tpu.memory_space<semaphore_mem>>) src(%dma_wait3A_32 : memref<100000xi32, #tpu.memory_space<hbm>>) dst(%dma_wait3A_30 : memref<512xi32, #tpu.memory_space<vmem>>)
    %dma_wait3A_33 = arith.constant 512 : i32
    %dma_wait3A_34 = tpu.memref_slice %arg17[%dma_wait3A_33] : memref<2048xi32, #tpu.memory_space<vmem>> -> memref<512xi32, #tpu.memory_space<vmem>>
    %dma_wait3A_35 = arith.constant 0 : i32
    %dma_wait3A_36 = tpu.memref_slice %arg6[%dma_wait3A_35] : memref<100000xi32, #tpu.memory_space<hbm>> -> memref<100000xi32, #tpu.memory_space<hbm>>
    tpu.wait_indirect_dma semaphore(%arg26 : memref<!tpu.dma_semaphore, #tpu.memory_space<semaphore_mem>>) src(%dma_wait3A_36 : memref<100000xi32, #tpu.memory_space<hbm>>) dst(%dma_wait3A_34 : memref<512xi32, #tpu.memory_space<vmem>>)
    %dma_wait3A_37 = arith.constant 1024 : i32
    %dma_wait3A_38 = tpu.memref_slice %arg17[%dma_wait3A_37] : memref<2048xi32, #tpu.memory_space<vmem>> -> memref<512xi32, #tpu.memory_space<vmem>>
    %dma_wait3A_39 = arith.constant 0 : i32
    %dma_wait3A_40 = tpu.memref_slice %arg7[%dma_wait3A_39] : memref<100000xi32, #tpu.memory_space<hbm>> -> memref<100000xi32, #tpu.memory_space<hbm>>
    tpu.wait_indirect_dma semaphore(%arg26 : memref<!tpu.dma_semaphore, #tpu.memory_space<semaphore_mem>>) src(%dma_wait3A_40 : memref<100000xi32, #tpu.memory_space<hbm>>) dst(%dma_wait3A_38 : memref<512xi32, #tpu.memory_space<vmem>>)
    %dma_wait3A_41 = arith.constant 1536 : i32
    %dma_wait3A_42 = tpu.memref_slice %arg17[%dma_wait3A_41] : memref<2048xi32, #tpu.memory_space<vmem>> -> memref<512xi32, #tpu.memory_space<vmem>>
    %dma_wait3A_43 = arith.constant 0 : i32
    %dma_wait3A_44 = tpu.memref_slice %arg8[%dma_wait3A_43] : memref<100000xi32, #tpu.memory_space<hbm>> -> memref<100000xi32, #tpu.memory_space<hbm>>
    tpu.wait_indirect_dma semaphore(%arg26 : memref<!tpu.dma_semaphore, #tpu.memory_space<semaphore_mem>>) src(%dma_wait3A_44 : memref<100000xi32, #tpu.memory_space<hbm>>) dst(%dma_wait3A_42 : memref<512xi32, #tpu.memory_space<vmem>>)
    %dma_start3A_45 = arith.constant 0 : i32
    %dma_start3A_46 = tpu.memref_slice %arg9[%dma_start3A_45] : memref<100000xf32, #tpu.memory_space<hbm>> -> memref<100000xf32, #tpu.memory_space<hbm>>
    tpu.enqueue_indirect_dma source(%dma_start3A_46 : memref<100000xf32, #tpu.memory_space<hbm>>) target(%arg21 : memref<2048xf32, #tpu.memory_space<vmem>>) offsets(%arg17 : memref<2048xi32, #tpu.memory_space<vmem>>) semaphore(%arg27 : memref<!tpu.dma_semaphore, #tpu.memory_space<semaphore_mem>>)
    %scan3A = arith.constant 0 : i32
    %scan3A_47 = arith.constant 0 : i32
    %scan3A_48 = arith.constant 32 : i32
    %scan3A_49 = arith.addi %scan3A_47, %scan3A_48 : i32
    %scan3A_50 = arith.constant 1 : i32
    scf.for %scan3A_144 = %scan3A_47 to %scan3A_49 step %scan3A_50  : i32 {
      %mul3A_145 = arith.constant 16 : i32
      %mul3A_146 = arith.muli %scan3A_144, %mul3A_145 : i32
      %get3A = arith.index_cast %mul3A_146 : i32 to index
      %get3A_147 = tpu.vector_load %arg15[%get3A] {strides = array<i32>} : memref<512xi32, #tpu.memory_space<vmem>>, vector<16xi32>,
      %get3A_148 = vector.shape_cast %get3A_147 : vector<16xi32> to vector<16xi32>
      %get3A_149 = arith.index_cast %mul3A_146 : i32 to index
      %get3A_150 = tpu.vector_load %arg16[%get3A_149] {strides = array<i32>} : memref<512xi32, #tpu.memory_space<vmem>>, vector<16xi32>,
      %get3A_151 = vector.shape_cast %get3A_150 : vector<16xi32> to vector<16xi32>
      %mul3A_152 = arith.constant 1000003 : i32
      %mul3A_153 = vector.broadcast %mul3A_152 : i32 to vector<16xi32>
      %mul3A_154 = arith.muli %get3A_148, %mul3A_153 : vector<16xi32>
      %mul3A_155 = arith.constant 97 : i32
      %mul3A_156 = vector.broadcast %mul3A_155 : i32 to vector<16xi32>
      %mul3A_157 = arith.muli %get3A_151, %mul3A_156 : vector<16xi32>
      %mul3A_158 = arith.constant 31337 : i32
      %mul3A_159 = vector.broadcast %mul3A_158 : i32 to vector<16xi32>
      %mul3A_160 = arith.muli %get3A_151, %mul3A_159 : vector<16xi32>
      %add3A_161 = arith.constant 0 : i32
      %add3A_162 = arith.addi %add3A_161, %mul3A_146 : i32
      %get3A_163 = arith.index_cast %add3A_162 : i32 to index
      %get3A_164 = tpu.vector_load %arg17[%get3A_163] {strides = array<i32>} : memref<2048xi32, #tpu.memory_space<vmem>>, vector<16xi32>,
      %get3A_165 = vector.shape_cast %get3A_164 : vector<16xi32> to vector<16xi32>
      %mul3A_166 = arith.constant 97 : i32
      %mul3A_167 = vector.broadcast %mul3A_166 : i32 to vector<16xi32>
      %mul3A_168 = arith.muli %get3A_165, %mul3A_167 : vector<16xi32>
      %add3A_169 = arith.addi %mul3A_154, %mul3A_168 : vector<16xi32>
      %abs3A = math.absi %add3A_169 : vector<16xi32>
      %convert_element_type3A = arith.sitofp %abs3A : vector<16xi32> to vector<16xf32>
      %mul3A_170 = arith.constant 9.99999997E-7 : f32
      %mul3A_171 = vector.broadcast %mul3A_170 : f32 to vector<16xf32>
      %mul3A_172 = arith.mulf %convert_element_type3A, %mul3A_171 : vector<16xf32>
      %convert_element_type3A_173 = arith.fptosi %mul3A_172 : vector<16xf32> to vector<16xi32>
      %mul3A_174 = arith.constant 1000000 : i32
      %mul3A_175 = vector.broadcast %mul3A_174 : i32 to vector<16xi32>
      %mul3A_176 = arith.muli %convert_element_type3A_173, %mul3A_175 : vector<16xi32>
      %sub3A = arith.subi %abs3A, %mul3A_176 : vector<16xi32>
      %lt3A = arith.constant 0 : i32
      %lt3A_177 = vector.broadcast %lt3A : i32 to vector<16xi32>
      %lt3A_178 = arith.cmpi slt, %sub3A, %lt3A_177 : vector<16xi32>
      %add3A_179 = arith.constant 1000000 : i32
      %add3A_180 = vector.broadcast %add3A_179 : i32 to vector<16xi32>
      %add3A_181 = arith.addi %sub3A, %add3A_180 : vector<16xi32>
      %select_n3A = arith.select %lt3A_178, %add3A_181, %sub3A : vector<16xi1>, vector<16xi32>
      %ge3A = arith.constant 1000000 : i32
      %ge3A_182 = vector.broadcast %ge3A : i32 to vector<16xi32>
      %ge3A_183 = arith.cmpi sge, %select_n3A, %ge3A_182 : vector<16xi32>
      %sub3A_184 = arith.constant 1000000 : i32
      %sub3A_185 = vector.broadcast %sub3A_184 : i32 to vector<16xi32>
      %sub3A_186 = arith.subi %select_n3A, %sub3A_185 : vector<16xi32>
      %select_n3A_187 = arith.select %ge3A_183, %sub3A_186, %select_n3A : vector<16xi1>, vector<16xi32>
      %swap3A = arith.index_cast %add3A_162 : i32 to index
      %swap3A_188 = tpu.vector_load %arg18[%swap3A] {strides = array<i32>} : memref<2048xi32, #tpu.memory_space<vmem>>, vector<16xi32>,
      %swap3A_189 = vector.shape_cast %swap3A_188 : vector<16xi32> to vector<16xi32>
      %swap3A_190 = vector.shape_cast %select_n3A_187 : vector<16xi32> to vector<16xi32>
      tpu.vector_store %arg18[%swap3A], %swap3A_190 {strides = array<i32>} : memref<2048xi32, #tpu.memory_space<vmem>>, vector<16xi32>,
      %add3A_191 = arith.addi %add3A_169, %mul3A_160 : vector<16xi32>
      %abs3A_192 = math.absi %add3A_191 : vector<16xi32>
      %convert_element_type3A_193 = arith.sitofp %abs3A_192 : vector<16xi32> to vector<16xf32>
      %mul3A_194 = arith.constant 9.99999997E-7 : f32
      %mul3A_195 = vector.broadcast %mul3A_194 : f32 to vector<16xf32>
      %mul3A_196 = arith.mulf %convert_element_type3A_193, %mul3A_195 : vector<16xf32>
      %convert_element_type3A_197 = arith.fptosi %mul3A_196 : vector<16xf32> to vector<16xi32>
      %mul3A_198 = arith.constant 1000000 : i32
      %mul3A_199 = vector.broadcast %mul3A_198 : i32 to vector<16xi32>
      %mul3A_200 = arith.muli %convert_element_type3A_197, %mul3A_199 : vector<16xi32>
      %sub3A_201 = arith.subi %abs3A_192, %mul3A_200 : vector<16xi32>
      %lt3A_202 = arith.constant 0 : i32
      %lt3A_203 = vector.broadcast %lt3A_202 : i32 to vector<16xi32>
      %lt3A_204 = arith.cmpi slt, %sub3A_201, %lt3A_203 : vector<16xi32>
      %add3A_205 = arith.constant 1000000 : i32
      %add3A_206 = vector.broadcast %add3A_205 : i32 to vector<16xi32>
      %add3A_207 = arith.addi %sub3A_201, %add3A_206 : vector<16xi32>
      %select_n3A_208 = arith.select %lt3A_204, %add3A_207, %sub3A_201 : vector<16xi1>, vector<16xi32>
      %ge3A_209 = arith.constant 1000000 : i32
      %ge3A_210 = vector.broadcast %ge3A_209 : i32 to vector<16xi32>
      %ge3A_211 = arith.cmpi sge, %select_n3A_208, %ge3A_210 : vector<16xi32>
      %sub3A_212 = arith.constant 1000000 : i32
      %sub3A_213 = vector.broadcast %sub3A_212 : i32 to vector<16xi32>
      %sub3A_214 = arith.subi %select_n3A_208, %sub3A_213 : vector<16xi32>
      %select_n3A_215 = arith.select %ge3A_211, %sub3A_214, %select_n3A_208 : vector<16xi1>, vector<16xi32>
      %swap3A_216 = arith.index_cast %add3A_162 : i32 to index
      %swap3A_217 = tpu.vector_load %arg20[%swap3A_216] {strides = array<i32>} : memref<2048xi32, #tpu.memory_space<vmem>>, vector<16xi32>,
      %swap3A_218 = vector.shape_cast %swap3A_217 : vector<16xi32> to vector<16xi32>
      %swap3A_219 = vector.shape_cast %select_n3A_215 : vector<16xi32> to vector<16xi32>
      tpu.vector_store %arg20[%swap3A_216], %swap3A_219 {strides = array<i32>} : memref<2048xi32, #tpu.memory_space<vmem>>, vector<16xi32>,
      %mul3A_220 = arith.constant 1000003 : i32
      %mul3A_221 = vector.broadcast %mul3A_220 : i32 to vector<16xi32>
      %mul3A_222 = arith.muli %get3A_165, %mul3A_221 : vector<16xi32>
      %add3A_223 = arith.addi %mul3A_222, %mul3A_157 : vector<16xi32>
      %abs3A_224 = math.absi %add3A_223 : vector<16xi32>
      %convert_element_type3A_225 = arith.sitofp %abs3A_224 : vector<16xi32> to vector<16xf32>
      %mul3A_226 = arith.constant 9.99999997E-7 : f32
      %mul3A_227 = vector.broadcast %mul3A_226 : f32 to vector<16xf32>
      %mul3A_228 = arith.mulf %convert_element_type3A_225, %mul3A_227 : vector<16xf32>
      %convert_element_type3A_229 = arith.fptosi %mul3A_228 : vector<16xf32> to vector<16xi32>
      %mul3A_230 = arith.constant 1000000 : i32
      %mul3A_231 = vector.broadcast %mul3A_230 : i32 to vector<16xi32>
      %mul3A_232 = arith.muli %convert_element_type3A_229, %mul3A_231 : vector<16xi32>
      %sub3A_233 = arith.subi %abs3A_224, %mul3A_232 : vector<16xi32>
      %lt3A_234 = arith.constant 0 : i32
      %lt3A_235 = vector.broadcast %lt3A_234 : i32 to vector<16xi32>
      %lt3A_236 = arith.cmpi slt, %sub3A_233, %lt3A_235 : vector<16xi32>
      %add3A_237 = arith.constant 1000000 : i32
      %add3A_238 = vector.broadcast %add3A_237 : i32 to vector<16xi32>
      %add3A_239 = arith.addi %sub3A_233, %add3A_238 : vector<16xi32>
      %select_n3A_240 = arith.select %lt3A_236, %add3A_239, %sub3A_233 : vector<16xi1>, vector<16xi32>
      %ge3A_241 = arith.constant 1000000 : i32
      %ge3A_242 = vector.broadcast %ge3A_241 : i32 to vector<16xi32>
      %ge3A_243 = arith.cmpi sge, %select_n3A_240, %ge3A_242 : vector<16xi32>
      %sub3A_244 = arith.constant 1000000 : i32
      %sub3A_245 = vector.broadcast %sub3A_244 : i32 to vector<16xi32>
      %sub3A_246 = arith.subi %select_n3A_240, %sub3A_245 : vector<16xi32>
      %select_n3A_247 = arith.select %ge3A_243, %sub3A_246, %select_n3A_240 : vector<16xi1>, vector<16xi32>
      %swap3A_248 = arith.index_cast %add3A_162 : i32 to index
      %swap3A_249 = tpu.vector_load %arg19[%swap3A_248] {strides = array<i32>} : memref<2048xi32, #tpu.memory_space<vmem>>, vector<16xi32>,
      %swap3A_250 = vector.shape_cast %swap3A_249 : vector<16xi32> to vector<16xi32>
      %swap3A_251 = vector.shape_cast %select_n3A_247 : vector<16xi32> to vector<16xi32>
      tpu.vector_store %arg19[%swap3A_248], %swap3A_251 {strides = array<i32>} : memref<2048xi32, #tpu.memory_space<vmem>>, vector<16xi32>,
      %add3A_252 = arith.constant 512 : i32
      %add3A_253 = arith.addi %add3A_252, %mul3A_146 : i32
      %get3A_254 = arith.index_cast %add3A_253 : i32 to index
      %get3A_255 = tpu.vector_load %arg17[%get3A_254] {strides = array<i32>} : memref<2048xi32, #tpu.memory_space<vmem>>, vector<16xi32>,
      %get3A_256 = vector.shape_cast %get3A_255 : vector<16xi32> to vector<16xi32>
      %mul3A_257 = arith.constant 97 : i32
      %mul3A_258 = vector.broadcast %mul3A_257 : i32 to vector<16xi32>
      %mul3A_259 = arith.muli %get3A_256, %mul3A_258 : vector<16xi32>
      %add3A_260 = arith.addi %mul3A_154, %mul3A_259 : vector<16xi32>
      %abs3A_261 = math.absi %add3A_260 : vector<16xi32>
      %convert_element_type3A_262 = arith.sitofp %abs3A_261 : vector<16xi32> to vector<16xf32>
      %mul3A_263 = arith.constant 9.99999997E-7 : f32
      %mul3A_264 = vector.broadcast %mul3A_263 : f32 to vector<16xf32>
      %mul3A_265 = arith.mulf %convert_element_type3A_262, %mul3A_264 : vector<16xf32>
      %convert_element_type3A_266 = arith.fptosi %mul3A_265 : vector<16xf32> to vector<16xi32>
      %mul3A_267 = arith.constant 1000000 : i32
      %mul3A_268 = vector.broadcast %mul3A_267 : i32 to vector<16xi32>
      %mul3A_269 = arith.muli %convert_element_type3A_266, %mul3A_268 : vector<16xi32>
      %sub3A_270 = arith.subi %abs3A_261, %mul3A_269 : vector<16xi32>
      %lt3A_271 = arith.constant 0 : i32
      %lt3A_272 = vector.broadcast %lt3A_271 : i32 to vector<16xi32>
      %lt3A_273 = arith.cmpi slt, %sub3A_270, %lt3A_272 : vector<16xi32>
      %add3A_274 = arith.constant 1000000 : i32
      %add3A_275 = vector.broadcast %add3A_274 : i32 to vector<16xi32>
      %add3A_276 = arith.addi %sub3A_270, %add3A_275 : vector<16xi32>
      %select_n3A_277 = arith.select %lt3A_273, %add3A_276, %sub3A_270 : vector<16xi1>, vector<16xi32>
      %ge3A_278 = arith.constant 1000000 : i32
      %ge3A_279 = vector.broadcast %ge3A_278 : i32 to vector<16xi32>
      %ge3A_280 = arith.cmpi sge, %select_n3A_277, %ge3A_279 : vector<16xi32>
      %sub3A_281 = arith.constant 1000000 : i32
      %sub3A_282 = vector.broadcast %sub3A_281 : i32 to vector<16xi32>
      %sub3A_283 = arith.subi %select_n3A_277, %sub3A_282 : vector<16xi32>
      %select_n3A_284 = arith.select %ge3A_280, %sub3A_283, %select_n3A_277 : vector<16xi1>, vector<16xi32>
      %swap3A_285 = arith.index_cast %add3A_253 : i32 to index
      %swap3A_286 = tpu.vector_load %arg18[%swap3A_285] {strides = array<i32>} : memref<2048xi32, #tpu.memory_space<vmem>>, vector<16xi32>,
      %swap3A_287 = vector.shape_cast %swap3A_286 : vector<16xi32> to vector<16xi32>
      %swap3A_288 = vector.shape_cast %select_n3A_284 : vector<16xi32> to vector<16xi32>
      tpu.vector_store %arg18[%swap3A_285], %swap3A_288 {strides = array<i32>} : memref<2048xi32, #tpu.memory_space<vmem>>, vector<16xi32>,
      %add3A_289 = arith.addi %add3A_260, %mul3A_160 : vector<16xi32>
      %abs3A_290 = math.absi %add3A_289 : vector<16xi32>
      %convert_element_type3A_291 = arith.sitofp %abs3A_290 : vector<16xi32> to vector<16xf32>
      %mul3A_292 = arith.constant 9.99999997E-7 : f32
      %mul3A_293 = vector.broadcast %mul3A_292 : f32 to vector<16xf32>
      %mul3A_294 = arith.mulf %convert_element_type3A_291, %mul3A_293 : vector<16xf32>
      %convert_element_type3A_295 = arith.fptosi %mul3A_294 : vector<16xf32> to vector<16xi32>
      %mul3A_296 = arith.constant 1000000 : i32
      %mul3A_297 = vector.broadcast %mul3A_296 : i32 to vector<16xi32>
      %mul3A_298 = arith.muli %convert_element_type3A_295, %mul3A_297 : vector<16xi32>
      %sub3A_299 = arith.subi %abs3A_290, %mul3A_298 : vector<16xi32>
      %lt3A_300 = arith.constant 0 : i32
      %lt3A_301 = vector.broadcast %lt3A_300 : i32 to vector<16xi32>
      %lt3A_302 = arith.cmpi slt, %sub3A_299, %lt3A_301 : vector<16xi32>
      %add3A_303 = arith.constant 1000000 : i32
      %add3A_304 = vector.broadcast %add3A_303 : i32 to vector<16xi32>
      %add3A_305 = arith.addi %sub3A_299, %add3A_304 : vector<16xi32>
      %select_n3A_306 = arith.select %lt3A_302, %add3A_305, %sub3A_299 : vector<16xi1>, vector<16xi32>
      %ge3A_307 = arith.constant 1000000 : i32
      %ge3A_308 = vector.broadcast %ge3A_307 : i32 to vector<16xi32>
      %ge3A_309 = arith.cmpi sge, %select_n3A_306, %ge3A_308 : vector<16xi32>
      %sub3A_310 = arith.constant 1000000 : i32
      %sub3A_311 = vector.broadcast %sub3A_310 : i32 to vector<16xi32>
      %sub3A_312 = arith.subi %select_n3A_306, %sub3A_311 : vector<16xi32>
      %select_n3A_313 = arith.select %ge3A_309, %sub3A_312, %select_n3A_306 : vector<16xi1>, vector<16xi32>
      %swap3A_314 = arith.index_cast %add3A_253 : i32 to index
      %swap3A_315 = tpu.vector_load %arg20[%swap3A_314] {strides = array<i32>} : memref<2048xi32, #tpu.memory_space<vmem>>, vector<16xi32>,
      %swap3A_316 = vector.shape_cast %swap3A_315 : vector<16xi32> to vector<16xi32>
      %swap3A_317 = vector.shape_cast %select_n3A_313 : vector<16xi32> to vector<16xi32>
      tpu.vector_store %arg20[%swap3A_314], %swap3A_317 {strides = array<i32>} : memref<2048xi32, #tpu.memory_space<vmem>>, vector<16xi32>,
      %mul3A_318 = arith.constant 1000003 : i32
      %mul3A_319 = vector.broadcast %mul3A_318 : i32 to vector<16xi32>
      %mul3A_320 = arith.muli %get3A_256, %mul3A_319 : vector<16xi32>
      %add3A_321 = arith.addi %mul3A_320, %mul3A_157 : vector<16xi32>
      %abs3A_322 = math.absi %add3A_321 : vector<16xi32>
      %convert_element_type3A_323 = arith.sitofp %abs3A_322 : vector<16xi32> to vector<16xf32>
      %mul3A_324 = arith.constant 9.99999997E-7 : f32
      %mul3A_325 = vector.broadcast %mul3A_324 : f32 to vector<16xf32>
      %mul3A_326 = arith.mulf %convert_element_type3A_323, %mul3A_325 : vector<16xf32>
      %convert_element_type3A_327 = arith.fptosi %mul3A_326 : vector<16xf32> to vector<16xi32>
      %mul3A_328 = arith.constant 1000000 : i32
      %mul3A_329 = vector.broadcast %mul3A_328 : i32 to vector<16xi32>
      %mul3A_330 = arith.muli %convert_element_type3A_327, %mul3A_329 : vector<16xi32>
      %sub3A_331 = arith.subi %abs3A_322, %mul3A_330 : vector<16xi32>
      %lt3A_332 = arith.constant 0 : i32
      %lt3A_333 = vector.broadcast %lt3A_332 : i32 to vector<16xi32>
      %lt3A_334 = arith.cmpi slt, %sub3A_331, %lt3A_333 : vector<16xi32>
      %add3A_335 = arith.constant 1000000 : i32
      %add3A_336 = vector.broadcast %add3A_335 : i32 to vector<16xi32>
      %add3A_337 = arith.addi %sub3A_331, %add3A_336 : vector<16xi32>
      %select_n3A_338 = arith.select %lt3A_334, %add3A_337, %sub3A_331 : vector<16xi1>, vector<16xi32>
      %ge3A_339 = arith.constant 1000000 : i32
      %ge3A_340 = vector.broadcast %ge3A_339 : i32 to vector<16xi32>
      %ge3A_341 = arith.cmpi sge, %select_n3A_338, %ge3A_340 : vector<16xi32>
      %sub3A_342 = arith.constant 1000000 : i32
      %sub3A_343 = vector.broadcast %sub3A_342 : i32 to vector<16xi32>
      %sub3A_344 = arith.subi %select_n3A_338, %sub3A_343 : vector<16xi32>
      %select_n3A_345 = arith.select %ge3A_341, %sub3A_344, %select_n3A_338 : vector<16xi1>, vector<16xi32>
      %swap3A_346 = arith.index_cast %add3A_253 : i32 to index
      %swap3A_347 = tpu.vector_load %arg19[%swap3A_346] {strides = array<i32>} : memref<2048xi32, #tpu.memory_space<vmem>>, vector<16xi32>,
      %swap3A_348 = vector.shape_cast %swap3A_347 : vector<16xi32> to vector<16xi32>
      %swap3A_349 = vector.shape_cast %select_n3A_345 : vector<16xi32> to vector<16xi32>
      tpu.vector_store %arg19[%swap3A_346], %swap3A_349 {strides = array<i32>} : memref<2048xi32, #tpu.memory_space<vmem>>, vector<16xi32>,
      %add3A_350 = arith.constant 1024 : i32
      %add3A_351 = arith.addi %add3A_350, %mul3A_146 : i32
      %get3A_352 = arith.index_cast %add3A_351 : i32 to index
      %get3A_353 = tpu.vector_load %arg17[%get3A_352] {strides = array<i32>} : memref<2048xi32, #tpu.memory_space<vmem>>, vector<16xi32>,
      %get3A_354 = vector.shape_cast %get3A_353 : vector<16xi32> to vector<16xi32>
      %mul3A_355 = arith.constant 97 : i32
      %mul3A_356 = vector.broadcast %mul3A_355 : i32 to vector<16xi32>
      %mul3A_357 = arith.muli %get3A_354, %mul3A_356 : vector<16xi32>
      %add3A_358 = arith.addi %mul3A_154, %mul3A_357 : vector<16xi32>
      %abs3A_359 = math.absi %add3A_358 : vector<16xi32>
      %convert_element_type3A_360 = arith.sitofp %abs3A_359 : vector<16xi32> to vector<16xf32>
      %mul3A_361 = arith.constant 9.99999997E-7 : f32
      %mul3A_362 = vector.broadcast %mul3A_361 : f32 to vector<16xf32>
      %mul3A_363 = arith.mulf %convert_element_type3A_360, %mul3A_362 : vector<16xf32>
      %convert_element_type3A_364 = arith.fptosi %mul3A_363 : vector<16xf32> to vector<16xi32>
      %mul3A_365 = arith.constant 1000000 : i32
      %mul3A_366 = vector.broadcast %mul3A_365 : i32 to vector<16xi32>
      %mul3A_367 = arith.muli %convert_element_type3A_364, %mul3A_366 : vector<16xi32>
      %sub3A_368 = arith.subi %abs3A_359, %mul3A_367 : vector<16xi32>
      %lt3A_369 = arith.constant 0 : i32
      %lt3A_370 = vector.broadcast %lt3A_369 : i32 to vector<16xi32>
      %lt3A_371 = arith.cmpi slt, %sub3A_368, %lt3A_370 : vector<16xi32>
      %add3A_372 = arith.constant 1000000 : i32
      %add3A_373 = vector.broadcast %add3A_372 : i32 to vector<16xi32>
      %add3A_374 = arith.addi %sub3A_368, %add3A_373 : vector<16xi32>
      %select_n3A_375 = arith.select %lt3A_371, %add3A_374, %sub3A_368 : vector<16xi1>, vector<16xi32>
      %ge3A_376 = arith.constant 1000000 : i32
      %ge3A_377 = vector.broadcast %ge3A_376 : i32 to vector<16xi32>
      %ge3A_378 = arith.cmpi sge, %select_n3A_375, %ge3A_377 : vector<16xi32>
      %sub3A_379 = arith.constant 1000000 : i32
      %sub3A_380 = vector.broadcast %sub3A_379 : i32 to vector<16xi32>
      %sub3A_381 = arith.subi %select_n3A_375, %sub3A_380 : vector<16xi32>
      %select_n3A_382 = arith.select %ge3A_378, %sub3A_381, %select_n3A_375 : vector<16xi1>, vector<16xi32>
      %swap3A_383 = arith.index_cast %add3A_351 : i32 to index
      %swap3A_384 = tpu.vector_load %arg18[%swap3A_383] {strides = array<i32>} : memref<2048xi32, #tpu.memory_space<vmem>>, vector<16xi32>,
      %swap3A_385 = vector.shape_cast %swap3A_384 : vector<16xi32> to vector<16xi32>
      %swap3A_386 = vector.shape_cast %select_n3A_382 : vector<16xi32> to vector<16xi32>
      tpu.vector_store %arg18[%swap3A_383], %swap3A_386 {strides = array<i32>} : memref<2048xi32, #tpu.memory_space<vmem>>, vector<16xi32>,
      %add3A_387 = arith.addi %add3A_358, %mul3A_160 : vector<16xi32>
      %abs3A_388 = math.absi %add3A_387 : vector<16xi32>
      %convert_element_type3A_389 = arith.sitofp %abs3A_388 : vector<16xi32> to vector<16xf32>
      %mul3A_390 = arith.constant 9.99999997E-7 : f32
      %mul3A_391 = vector.broadcast %mul3A_390 : f32 to vector<16xf32>
      %mul3A_392 = arith.mulf %convert_element_type3A_389, %mul3A_391 : vector<16xf32>
      %convert_element_type3A_393 = arith.fptosi %mul3A_392 : vector<16xf32> to vector<16xi32>
      %mul3A_394 = arith.constant 1000000 : i32
      %mul3A_395 = vector.broadcast %mul3A_394 : i32 to vector<16xi32>
      %mul3A_396 = arith.muli %convert_element_type3A_393, %mul3A_395 : vector<16xi32>
      %sub3A_397 = arith.subi %abs3A_388, %mul3A_396 : vector<16xi32>
      %lt3A_398 = arith.constant 0 : i32
      %lt3A_399 = vector.broadcast %lt3A_398 : i32 to vector<16xi32>
      %lt3A_400 = arith.cmpi slt, %sub3A_397, %lt3A_399 : vector<16xi32>
      %add3A_401 = arith.constant 1000000 : i32
      %add3A_402 = vector.broadcast %add3A_401 : i32 to vector<16xi32>
      %add3A_403 = arith.addi %sub3A_397, %add3A_402 : vector<16xi32>
      %select_n3A_404 = arith.select %lt3A_400, %add3A_403, %sub3A_397 : vector<16xi1>, vector<16xi32>
      %ge3A_405 = arith.constant 1000000 : i32
      %ge3A_406 = vector.broadcast %ge3A_405 : i32 to vector<16xi32>
      %ge3A_407 = arith.cmpi sge, %select_n3A_404, %ge3A_406 : vector<16xi32>
      %sub3A_408 = arith.constant 1000000 : i32
      %sub3A_409 = vector.broadcast %sub3A_408 : i32 to vector<16xi32>
      %sub3A_410 = arith.subi %select_n3A_404, %sub3A_409 : vector<16xi32>
      %select_n3A_411 = arith.select %ge3A_407, %sub3A_410, %select_n3A_404 : vector<16xi1>, vector<16xi32>
      %swap3A_412 = arith.index_cast %add3A_351 : i32 to index
      %swap3A_413 = tpu.vector_load %arg20[%swap3A_412] {strides = array<i32>} : memref<2048xi32, #tpu.memory_space<vmem>>, vector<16xi32>,
      %swap3A_414 = vector.shape_cast %swap3A_413 : vector<16xi32> to vector<16xi32>
      %swap3A_415 = vector.shape_cast %select_n3A_411 : vector<16xi32> to vector<16xi32>
      tpu.vector_store %arg20[%swap3A_412], %swap3A_415 {strides = array<i32>} : memref<2048xi32, #tpu.memory_space<vmem>>, vector<16xi32>,
      %mul3A_416 = arith.constant 1000003 : i32
      %mul3A_417 = vector.broadcast %mul3A_416 : i32 to vector<16xi32>
      %mul3A_418 = arith.muli %get3A_354, %mul3A_417 : vector<16xi32>
      %add3A_419 = arith.addi %mul3A_418, %mul3A_157 : vector<16xi32>
      %abs3A_420 = math.absi %add3A_419 : vector<16xi32>
      %convert_element_type3A_421 = arith.sitofp %abs3A_420 : vector<16xi32> to vector<16xf32>
      %mul3A_422 = arith.constant 9.99999997E-7 : f32
      %mul3A_423 = vector.broadcast %mul3A_422 : f32 to vector<16xf32>
      %mul3A_424 = arith.mulf %convert_element_type3A_421, %mul3A_423 : vector<16xf32>
      %convert_element_type3A_425 = arith.fptosi %mul3A_424 : vector<16xf32> to vector<16xi32>
      %mul3A_426 = arith.constant 1000000 : i32
      %mul3A_427 = vector.broadcast %mul3A_426 : i32 to vector<16xi32>
      %mul3A_428 = arith.muli %convert_element_type3A_425, %mul3A_427 : vector<16xi32>
      %sub3A_429 = arith.subi %abs3A_420, %mul3A_428 : vector<16xi32>
      %lt3A_430 = arith.constant 0 : i32
      %lt3A_431 = vector.broadcast %lt3A_430 : i32 to vector<16xi32>
      %lt3A_432 = arith.cmpi slt, %sub3A_429, %lt3A_431 : vector<16xi32>
      %add3A_433 = arith.constant 1000000 : i32
      %add3A_434 = vector.broadcast %add3A_433 : i32 to vector<16xi32>
      %add3A_435 = arith.addi %sub3A_429, %add3A_434 : vector<16xi32>
      %select_n3A_436 = arith.select %lt3A_432, %add3A_435, %sub3A_429 : vector<16xi1>, vector<16xi32>
      %ge3A_437 = arith.constant 1000000 : i32
      %ge3A_438 = vector.broadcast %ge3A_437 : i32 to vector<16xi32>
      %ge3A_439 = arith.cmpi sge, %select_n3A_436, %ge3A_438 : vector<16xi32>
      %sub3A_440 = arith.constant 1000000 : i32
      %sub3A_441 = vector.broadcast %sub3A_440 : i32 to vector<16xi32>
      %sub3A_442 = arith.subi %select_n3A_436, %sub3A_441 : vector<16xi32>
      %select_n3A_443 = arith.select %ge3A_439, %sub3A_442, %select_n3A_436 : vector<16xi1>, vector<16xi32>
      %swap3A_444 = arith.index_cast %add3A_351 : i32 to index
      %swap3A_445 = tpu.vector_load %arg19[%swap3A_444] {strides = array<i32>} : memref<2048xi32, #tpu.memory_space<vmem>>, vector<16xi32>,
      %swap3A_446 = vector.shape_cast %swap3A_445 : vector<16xi32> to vector<16xi32>
      %swap3A_447 = vector.shape_cast %select_n3A_443 : vector<16xi32> to vector<16xi32>
      tpu.vector_store %arg19[%swap3A_444], %swap3A_447 {strides = array<i32>} : memref<2048xi32, #tpu.memory_space<vmem>>, vector<16xi32>,
      %add3A_448 = arith.constant 1536 : i32
      %add3A_449 = arith.addi %add3A_448, %mul3A_146 : i32
      %get3A_450 = arith.index_cast %add3A_449 : i32 to index
      %get3A_451 = tpu.vector_load %arg17[%get3A_450] {strides = array<i32>} : memref<2048xi32, #tpu.memory_space<vmem>>, vector<16xi32>,
      %get3A_452 = vector.shape_cast %get3A_451 : vector<16xi32> to vector<16xi32>
      %mul3A_453 = arith.constant 97 : i32
      %mul3A_454 = vector.broadcast %mul3A_453 : i32 to vector<16xi32>
      %mul3A_455 = arith.muli %get3A_452, %mul3A_454 : vector<16xi32>
      %add3A_456 = arith.addi %mul3A_154, %mul3A_455 : vector<16xi32>
      %abs3A_457 = math.absi %add3A_456 : vector<16xi32>
      %convert_element_type3A_458 = arith.sitofp %abs3A_457 : vector<16xi32> to vector<16xf32>
      %mul3A_459 = arith.constant 9.99999997E-7 : f32
      %mul3A_460 = vector.broadcast %mul3A_459 : f32 to vector<16xf32>
      %mul3A_461 = arith.mulf %convert_element_type3A_458, %mul3A_460 : vector<16xf32>
      %convert_element_type3A_462 = arith.fptosi %mul3A_461 : vector<16xf32> to vector<16xi32>
      %mul3A_463 = arith.constant 1000000 : i32
      %mul3A_464 = vector.broadcast %mul3A_463 : i32 to vector<16xi32>
      %mul3A_465 = arith.muli %convert_element_type3A_462, %mul3A_464 : vector<16xi32>
      %sub3A_466 = arith.subi %abs3A_457, %mul3A_465 : vector<16xi32>
      %lt3A_467 = arith.constant 0 : i32
      %lt3A_468 = vector.broadcast %lt3A_467 : i32 to vector<16xi32>
      %lt3A_469 = arith.cmpi slt, %sub3A_466, %lt3A_468 : vector<16xi32>
      %add3A_470 = arith.constant 1000000 : i32
      %add3A_471 = vector.broadcast %add3A_470 : i32 to vector<16xi32>
      %add3A_472 = arith.addi %sub3A_466, %add3A_471 : vector<16xi32>
      %select_n3A_473 = arith.select %lt3A_469, %add3A_472, %sub3A_466 : vector<16xi1>, vector<16xi32>
      %ge3A_474 = arith.constant 1000000 : i32
      %ge3A_475 = vector.broadcast %ge3A_474 : i32 to vector<16xi32>
      %ge3A_476 = arith.cmpi sge, %select_n3A_473, %ge3A_475 : vector<16xi32>
      %sub3A_477 = arith.constant 1000000 : i32
      %sub3A_478 = vector.broadcast %sub3A_477 : i32 to vector<16xi32>
      %sub3A_479 = arith.subi %select_n3A_473, %sub3A_478 : vector<16xi32>
      %select_n3A_480 = arith.select %ge3A_476, %sub3A_479, %select_n3A_473 : vector<16xi1>, vector<16xi32>
      %swap3A_481 = arith.index_cast %add3A_449 : i32 to index
      %swap3A_482 = tpu.vector_load %arg18[%swap3A_481] {strides = array<i32>} : memref<2048xi32, #tpu.memory_space<vmem>>, vector<16xi32>,
      %swap3A_483 = vector.shape_cast %swap3A_482 : vector<16xi32> to vector<16xi32>
      %swap3A_484 = vector.shape_cast %select_n3A_480 : vector<16xi32> to vector<16xi32>
      tpu.vector_store %arg18[%swap3A_481], %swap3A_484 {strides = array<i32>} : memref<2048xi32, #tpu.memory_space<vmem>>, vector<16xi32>,
      %add3A_485 = arith.addi %add3A_456, %mul3A_160 : vector<16xi32>
      %abs3A_486 = math.absi %add3A_485 : vector<16xi32>
      %convert_element_type3A_487 = arith.sitofp %abs3A_486 : vector<16xi32> to vector<16xf32>
      %mul3A_488 = arith.constant 9.99999997E-7 : f32
      %mul3A_489 = vector.broadcast %mul3A_488 : f32 to vector<16xf32>
      %mul3A_490 = arith.mulf %convert_element_type3A_487, %mul3A_489 : vector<16xf32>
      %convert_element_type3A_491 = arith.fptosi %mul3A_490 : vector<16xf32> to vector<16xi32>
      %mul3A_492 = arith.constant 1000000 : i32
      %mul3A_493 = vector.broadcast %mul3A_492 : i32 to vector<16xi32>
      %mul3A_494 = arith.muli %convert_element_type3A_491, %mul3A_493 : vector<16xi32>
      %sub3A_495 = arith.subi %abs3A_486, %mul3A_494 : vector<16xi32>
      %lt3A_496 = arith.constant 0 : i32
      %lt3A_497 = vector.broadcast %lt3A_496 : i32 to vector<16xi32>
      %lt3A_498 = arith.cmpi slt, %sub3A_495, %lt3A_497 : vector<16xi32>
      %add3A_499 = arith.constant 1000000 : i32
      %add3A_500 = vector.broadcast %add3A_499 : i32 to vector<16xi32>
      %add3A_501 = arith.addi %sub3A_495, %add3A_500 : vector<16xi32>
      %select_n3A_502 = arith.select %lt3A_498, %add3A_501, %sub3A_495 : vector<16xi1>, vector<16xi32>
      %ge3A_503 = arith.constant 1000000 : i32
      %ge3A_504 = vector.broadcast %ge3A_503 : i32 to vector<16xi32>
      %ge3A_505 = arith.cmpi sge, %select_n3A_502, %ge3A_504 : vector<16xi32>
      %sub3A_506 = arith.constant 1000000 : i32
      %sub3A_507 = vector.broadcast %sub3A_506 : i32 to vector<16xi32>
      %sub3A_508 = arith.subi %select_n3A_502, %sub3A_507 : vector<16xi32>
      %select_n3A_509 = arith.select %ge3A_505, %sub3A_508, %select_n3A_502 : vector<16xi1>, vector<16xi32>
      %swap3A_510 = arith.index_cast %add3A_449 : i32 to index
      %swap3A_511 = tpu.vector_load %arg20[%swap3A_510] {strides = array<i32>} : memref<2048xi32, #tpu.memory_space<vmem>>, vector<16xi32>,
      %swap3A_512 = vector.shape_cast %swap3A_511 : vector<16xi32> to vector<16xi32>
      %swap3A_513 = vector.shape_cast %select_n3A_509 : vector<16xi32> to vector<16xi32>
      tpu.vector_store %arg20[%swap3A_510], %swap3A_513 {strides = array<i32>} : memref<2048xi32, #tpu.memory_space<vmem>>, vector<16xi32>,
      %mul3A_514 = arith.constant 1000003 : i32
      %mul3A_515 = vector.broadcast %mul3A_514 : i32 to vector<16xi32>
      %mul3A_516 = arith.muli %get3A_452, %mul3A_515 : vector<16xi32>
      %add3A_517 = arith.addi %mul3A_516, %mul3A_157 : vector<16xi32>
      %abs3A_518 = math.absi %add3A_517 : vector<16xi32>
      %convert_element_type3A_519 = arith.sitofp %abs3A_518 : vector<16xi32> to vector<16xf32>
      %mul3A_520 = arith.constant 9.99999997E-7 : f32
      %mul3A_521 = vector.broadcast %mul3A_520 : f32 to vector<16xf32>
      %mul3A_522 = arith.mulf %convert_element_type3A_519, %mul3A_521 : vector<16xf32>
      %convert_element_type3A_523 = arith.fptosi %mul3A_522 : vector<16xf32> to vector<16xi32>
      %mul3A_524 = arith.constant 1000000 : i32
      %mul3A_525 = vector.broadcast %mul3A_524 : i32 to vector<16xi32>
      %mul3A_526 = arith.muli %convert_element_type3A_523, %mul3A_525 : vector<16xi32>
      %sub3A_527 = arith.subi %abs3A_518, %mul3A_526 : vector<16xi32>
      %lt3A_528 = arith.constant 0 : i32
      %lt3A_529 = vector.broadcast %lt3A_528 : i32 to vector<16xi32>
      %lt3A_530 = arith.cmpi slt, %sub3A_527, %lt3A_529 : vector<16xi32>
      %add3A_531 = arith.constant 1000000 : i32
      %add3A_532 = vector.broadcast %add3A_531 : i32 to vector<16xi32>
      %add3A_533 = arith.addi %sub3A_527, %add3A_532 : vector<16xi32>
      %select_n3A_534 = arith.select %lt3A_530, %add3A_533, %sub3A_527 : vector<16xi1>, vector<16xi32>
      %ge3A_535 = arith.constant 1000000 : i32
      %ge3A_536 = vector.broadcast %ge3A_535 : i32 to vector<16xi32>
      %ge3A_537 = arith.cmpi sge, %select_n3A_534, %ge3A_536 : vector<16xi32>
      %sub3A_538 = arith.constant 1000000 : i32
      %sub3A_539 = vector.broadcast %sub3A_538 : i32 to vector<16xi32>
      %sub3A_540 = arith.subi %select_n3A_534, %sub3A_539 : vector<16xi32>
      %select_n3A_541 = arith.select %ge3A_537, %sub3A_540, %select_n3A_534 : vector<16xi1>, vector<16xi32>
      %swap3A_542 = arith.index_cast %add3A_449 : i32 to index
      %swap3A_543 = tpu.vector_load %arg19[%swap3A_542] {strides = array<i32>} : memref<2048xi32, #tpu.memory_space<vmem>>, vector<16xi32>,
      %swap3A_544 = vector.shape_cast %swap3A_543 : vector<16xi32> to vector<16xi32>
      %swap3A_545 = vector.shape_cast %select_n3A_541 : vector<16xi32> to vector<16xi32>
      tpu.vector_store %arg19[%swap3A_542], %swap3A_545 {strides = array<i32>} : memref<2048xi32, #tpu.memory_space<vmem>>, vector<16xi32>,
    }
    %scan3A_51 = arith.constant 32 : i32
    %dma_start3A_52 = arith.constant 0 : i32
    %dma_start3A_53 = tpu.memref_slice %arg10[%dma_start3A_52] : memref<1000000xf32, #tpu.memory_space<hbm>> -> memref<1000000xf32, #tpu.memory_space<hbm>>
    tpu.enqueue_indirect_dma source(%dma_start3A_53 : memref<1000000xf32, #tpu.memory_space<hbm>>) target(%arg22 : memref<2048xf32, #tpu.memory_space<vmem>>) offsets(%arg18 : memref<2048xi32, #tpu.memory_space<vmem>>) semaphore(%arg27 : memref<!tpu.dma_semaphore, #tpu.memory_space<semaphore_mem>>)
    %dma_start3A_54 = arith.constant 0 : i32
    %dma_start3A_55 = tpu.memref_slice %arg11[%dma_start3A_54] : memref<1000000xf32, #tpu.memory_space<hbm>> -> memref<1000000xf32, #tpu.memory_space<hbm>>
    tpu.enqueue_indirect_dma source(%dma_start3A_55 : memref<1000000xf32, #tpu.memory_space<hbm>>) target(%arg23 : memref<2048xf32, #tpu.memory_space<vmem>>) offsets(%arg19 : memref<2048xi32, #tpu.memory_space<vmem>>) semaphore(%arg27 : memref<!tpu.dma_semaphore, #tpu.memory_space<semaphore_mem>>)
    %dma_start3A_56 = arith.constant 0 : i32
    %dma_start3A_57 = tpu.memref_slice %arg12[%dma_start3A_56] : memref<1000000xf32, #tpu.memory_space<hbm>> -> memref<1000000xf32, #tpu.memory_space<hbm>>
    tpu.enqueue_indirect_dma source(%dma_start3A_57 : memref<1000000xf32, #tpu.memory_space<hbm>>) target(%arg24 : memref<2048xf32, #tpu.memory_space<vmem>>) offsets(%arg20 : memref<2048xi32, #tpu.memory_space<vmem>>) semaphore(%arg27 : memref<!tpu.dma_semaphore, #tpu.memory_space<semaphore_mem>>)
    %dma_wait3A_58 = arith.constant 0 : i32
    %dma_wait3A_59 = tpu.memref_slice %arg9[%dma_wait3A_58] : memref<100000xf32, #tpu.memory_space<hbm>> -> memref<100000xf32, #tpu.memory_space<hbm>>
    tpu.wait_indirect_dma semaphore(%arg27 : memref<!tpu.dma_semaphore, #tpu.memory_space<semaphore_mem>>) src(%dma_wait3A_59 : memref<100000xf32, #tpu.memory_space<hbm>>) dst(%arg21 : memref<2048xf32, #tpu.memory_space<vmem>>)
    %dma_wait3A_60 = arith.constant 0 : i32
    %dma_wait3A_61 = tpu.memref_slice %arg10[%dma_wait3A_60] : memref<1000000xf32, #tpu.memory_space<hbm>> -> memref<1000000xf32, #tpu.memory_space<hbm>>
    tpu.wait_indirect_dma semaphore(%arg27 : memref<!tpu.dma_semaphore, #tpu.memory_space<semaphore_mem>>) src(%dma_wait3A_61 : memref<1000000xf32, #tpu.memory_space<hbm>>) dst(%arg22 : memref<2048xf32, #tpu.memory_space<vmem>>)
    %dma_wait3A_62 = arith.constant 0 : i32
    %dma_wait3A_63 = tpu.memref_slice %arg11[%dma_wait3A_62] : memref<1000000xf32, #tpu.memory_space<hbm>> -> memref<1000000xf32, #tpu.memory_space<hbm>>
    tpu.wait_indirect_dma semaphore(%arg27 : memref<!tpu.dma_semaphore, #tpu.memory_space<semaphore_mem>>) src(%dma_wait3A_63 : memref<1000000xf32, #tpu.memory_space<hbm>>) dst(%arg23 : memref<2048xf32, #tpu.memory_space<vmem>>)
    %dma_wait3A_64 = arith.constant 0 : i32
    %dma_wait3A_65 = tpu.memref_slice %arg12[%dma_wait3A_64] : memref<1000000xf32, #tpu.memory_space<hbm>> -> memref<1000000xf32, #tpu.memory_space<hbm>>
    tpu.wait_indirect_dma semaphore(%arg27 : memref<!tpu.dma_semaphore, #tpu.memory_space<semaphore_mem>>) src(%dma_wait3A_65 : memref<1000000xf32, #tpu.memory_space<hbm>>) dst(%arg24 : memref<2048xf32, #tpu.memory_space<vmem>>)
    %scan3A_66 = arith.constant 0 : i32
    %scan3A_67 = arith.constant 0 : i32
    %scan3A_68 = arith.constant 32 : i32
    %scan3A_69 = arith.addi %scan3A_67, %scan3A_68 : i32
    %scan3A_70 = arith.constant 1 : i32
    scf.for %scan3A_144 = %scan3A_67 to %scan3A_69 step %scan3A_70  : i32 {
      %mul3A_145 = arith.constant 16 : i32
      %mul3A_146 = arith.muli %scan3A_144, %mul3A_145 : i32
      %add3A_147 = arith.constant 0 : i32
      %add3A_148 = arith.addi %add3A_147, %mul3A_146 : i32
      %get3A = arith.index_cast %add3A_148 : i32 to index
      %get3A_149 = tpu.vector_load %arg21[%get3A] {strides = array<i32>} : memref<2048xf32, #tpu.memory_space<vmem>>, vector<16xf32>,
      %get3A_150 = vector.shape_cast %get3A_149 : vector<16xf32> to vector<16xf32>
      %add3A_151 = arith.constant 5.000000e+00 : f32
      %add3A_152 = vector.broadcast %add3A_151 : f32 to vector<16xf32>
      %add3A_153 = arith.addf %get3A_150, %add3A_152 : vector<16xf32>
      %get3A_154 = arith.index_cast %add3A_148 : i32 to index
      %get3A_155 = tpu.vector_load %arg22[%get3A_154] {strides = array<i32>} : memref<2048xf32, #tpu.memory_space<vmem>>, vector<16xf32>,
      %get3A_156 = vector.shape_cast %get3A_155 : vector<16xf32> to vector<16xf32>
      %add3A_157 = arith.constant 5.000000e+00 : f32
      %add3A_158 = vector.broadcast %add3A_157 : f32 to vector<16xf32>
      %add3A_159 = arith.addf %get3A_156, %add3A_158 : vector<16xf32>
      %get3A_160 = arith.index_cast %add3A_148 : i32 to index
      %get3A_161 = tpu.vector_load %arg23[%get3A_160] {strides = array<i32>} : memref<2048xf32, #tpu.memory_space<vmem>>, vector<16xf32>,
      %get3A_162 = vector.shape_cast %get3A_161 : vector<16xf32> to vector<16xf32>
      %add3A_163 = arith.constant 5.000000e+00 : f32
      %add3A_164 = vector.broadcast %add3A_163 : f32 to vector<16xf32>
      %add3A_165 = arith.addf %get3A_162, %add3A_164 : vector<16xf32>
      %get3A_166 = arith.index_cast %add3A_148 : i32 to index
      %get3A_167 = tpu.vector_load %arg24[%get3A_166] {strides = array<i32>} : memref<2048xf32, #tpu.memory_space<vmem>>, vector<16xf32>,
      %get3A_168 = vector.shape_cast %get3A_167 : vector<16xf32> to vector<16xf32>
      %add3A_169 = arith.constant 5.000000e+00 : f32
      %add3A_170 = vector.broadcast %add3A_169 : f32 to vector<16xf32>
      %add3A_171 = arith.addf %get3A_168, %add3A_170 : vector<16xf32>
      %add3A_172 = arith.constant 512 : i32
      %add3A_173 = arith.addi %add3A_172, %mul3A_146 : i32
      %get3A_174 = arith.index_cast %add3A_173 : i32 to index
      %get3A_175 = tpu.vector_load %arg21[%get3A_174] {strides = array<i32>} : memref<2048xf32, #tpu.memory_space<vmem>>, vector<16xf32>,
      %get3A_176 = vector.shape_cast %get3A_175 : vector<16xf32> to vector<16xf32>
      %add3A_177 = arith.constant 5.000000e+00 : f32
      %add3A_178 = vector.broadcast %add3A_177 : f32 to vector<16xf32>
      %add3A_179 = arith.addf %get3A_176, %add3A_178 : vector<16xf32>
      %get3A_180 = arith.index_cast %add3A_173 : i32 to index
      %get3A_181 = tpu.vector_load %arg22[%get3A_180] {strides = array<i32>} : memref<2048xf32, #tpu.memory_space<vmem>>, vector<16xf32>,
      %get3A_182 = vector.shape_cast %get3A_181 : vector<16xf32> to vector<16xf32>
      %add3A_183 = arith.constant 5.000000e+00 : f32
      %add3A_184 = vector.broadcast %add3A_183 : f32 to vector<16xf32>
      %add3A_185 = arith.addf %get3A_182, %add3A_184 : vector<16xf32>
      %get3A_186 = arith.index_cast %add3A_173 : i32 to index
      %get3A_187 = tpu.vector_load %arg23[%get3A_186] {strides = array<i32>} : memref<2048xf32, #tpu.memory_space<vmem>>, vector<16xf32>,
      %get3A_188 = vector.shape_cast %get3A_187 : vector<16xf32> to vector<16xf32>
      %add3A_189 = arith.constant 5.000000e+00 : f32
      %add3A_190 = vector.broadcast %add3A_189 : f32 to vector<16xf32>
      %add3A_191 = arith.addf %get3A_188, %add3A_190 : vector<16xf32>
      %get3A_192 = arith.index_cast %add3A_173 : i32 to index
      %get3A_193 = tpu.vector_load %arg24[%get3A_192] {strides = array<i32>} : memref<2048xf32, #tpu.memory_space<vmem>>, vector<16xf32>,
      %get3A_194 = vector.shape_cast %get3A_193 : vector<16xf32> to vector<16xf32>
      %add3A_195 = arith.constant 5.000000e+00 : f32
      %add3A_196 = vector.broadcast %add3A_195 : f32 to vector<16xf32>
      %add3A_197 = arith.addf %get3A_194, %add3A_196 : vector<16xf32>
      %add3A_198 = arith.constant 1024 : i32
      %add3A_199 = arith.addi %add3A_198, %mul3A_146 : i32
      %get3A_200 = arith.index_cast %add3A_199 : i32 to index
      %get3A_201 = tpu.vector_load %arg21[%get3A_200] {strides = array<i32>} : memref<2048xf32, #tpu.memory_space<vmem>>, vector<16xf32>,
      %get3A_202 = vector.shape_cast %get3A_201 : vector<16xf32> to vector<16xf32>
      %add3A_203 = arith.constant 5.000000e+00 : f32
      %add3A_204 = vector.broadcast %add3A_203 : f32 to vector<16xf32>
      %add3A_205 = arith.addf %get3A_202, %add3A_204 : vector<16xf32>
      %get3A_206 = arith.index_cast %add3A_199 : i32 to index
      %get3A_207 = tpu.vector_load %arg22[%get3A_206] {strides = array<i32>} : memref<2048xf32, #tpu.memory_space<vmem>>, vector<16xf32>,
      %get3A_208 = vector.shape_cast %get3A_207 : vector<16xf32> to vector<16xf32>
      %add3A_209 = arith.constant 5.000000e+00 : f32
      %add3A_210 = vector.broadcast %add3A_209 : f32 to vector<16xf32>
      %add3A_211 = arith.addf %get3A_208, %add3A_210 : vector<16xf32>
      %get3A_212 = arith.index_cast %add3A_199 : i32 to index
      %get3A_213 = tpu.vector_load %arg23[%get3A_212] {strides = array<i32>} : memref<2048xf32, #tpu.memory_space<vmem>>, vector<16xf32>,
      %get3A_214 = vector.shape_cast %get3A_213 : vector<16xf32> to vector<16xf32>
      %add3A_215 = arith.constant 5.000000e+00 : f32
      %add3A_216 = vector.broadcast %add3A_215 : f32 to vector<16xf32>
      %add3A_217 = arith.addf %get3A_214, %add3A_216 : vector<16xf32>
      %get3A_218 = arith.index_cast %add3A_199 : i32 to index
      %get3A_219 = tpu.vector_load %arg24[%get3A_218] {strides = array<i32>} : memref<2048xf32, #tpu.memory_space<vmem>>, vector<16xf32>,
      %get3A_220 = vector.shape_cast %get3A_219 : vector<16xf32> to vector<16xf32>
      %add3A_221 = arith.constant 5.000000e+00 : f32
      %add3A_222 = vector.broadcast %add3A_221 : f32 to vector<16xf32>
      %add3A_223 = arith.addf %get3A_220, %add3A_222 : vector<16xf32>
      %add3A_224 = arith.constant 1536 : i32
      %add3A_225 = arith.addi %add3A_224, %mul3A_146 : i32
      %get3A_226 = arith.index_cast %add3A_225 : i32 to index
      %get3A_227 = tpu.vector_load %arg21[%get3A_226] {strides = array<i32>} : memref<2048xf32, #tpu.memory_space<vmem>>, vector<16xf32>,
      %get3A_228 = vector.shape_cast %get3A_227 : vector<16xf32> to vector<16xf32>
      %add3A_229 = arith.constant 5.000000e+00 : f32
      %add3A_230 = vector.broadcast %add3A_229 : f32 to vector<16xf32>
      %add3A_231 = arith.addf %get3A_228, %add3A_230 : vector<16xf32>
      %get3A_232 = arith.index_cast %add3A_225 : i32 to index
      %get3A_233 = tpu.vector_load %arg22[%get3A_232] {strides = array<i32>} : memref<2048xf32, #tpu.memory_space<vmem>>, vector<16xf32>,
      %get3A_234 = vector.shape_cast %get3A_233 : vector<16xf32> to vector<16xf32>
      %add3A_235 = arith.constant 5.000000e+00 : f32
      %add3A_236 = vector.broadcast %add3A_235 : f32 to vector<16xf32>
      %add3A_237 = arith.addf %get3A_234, %add3A_236 : vector<16xf32>
      %get3A_238 = arith.index_cast %add3A_225 : i32 to index
      %get3A_239 = tpu.vector_load %arg23[%get3A_238] {strides = array<i32>} : memref<2048xf32, #tpu.memory_space<vmem>>, vector<16xf32>,
      %get3A_240 = vector.shape_cast %get3A_239 : vector<16xf32> to vector<16xf32>
      %add3A_241 = arith.constant 5.000000e+00 : f32
      %add3A_242 = vector.broadcast %add3A_241 : f32 to vector<16xf32>
      %add3A_243 = arith.addf %get3A_240, %add3A_242 : vector<16xf32>
      %get3A_244 = arith.index_cast %add3A_225 : i32 to index
      %get3A_245 = tpu.vector_load %arg24[%get3A_244] {strides = array<i32>} : memref<2048xf32, #tpu.memory_space<vmem>>, vector<16xf32>,
      %get3A_246 = vector.shape_cast %get3A_245 : vector<16xf32> to vector<16xf32>
      %add3A_247 = arith.constant 5.000000e+00 : f32
      %add3A_248 = vector.broadcast %add3A_247 : f32 to vector<16xf32>
      %add3A_249 = arith.addf %get3A_246, %add3A_248 : vector<16xf32>
      %add3A_250 = arith.addf %add3A_153, %add3A_179 : vector<16xf32>
      %add3A_251 = arith.addf %add3A_205, %add3A_231 : vector<16xf32>
      %add3A_252 = arith.addf %add3A_250, %add3A_251 : vector<16xf32>
      %add3A_253 = arith.addf %add3A_159, %add3A_185 : vector<16xf32>
      %add3A_254 = arith.addf %add3A_211, %add3A_237 : vector<16xf32>
      %add3A_255 = arith.addf %add3A_253, %add3A_254 : vector<16xf32>
      %add3A_256 = arith.addf %add3A_165, %add3A_191 : vector<16xf32>
      %add3A_257 = arith.addf %add3A_217, %add3A_243 : vector<16xf32>
      %add3A_258 = arith.addf %add3A_256, %add3A_257 : vector<16xf32>
      %add3A_259 = arith.addf %add3A_171, %add3A_197 : vector<16xf32>
      %add3A_260 = arith.addf %add3A_223, %add3A_249 : vector<16xf32>
      %add3A_261 = arith.addf %add3A_259, %add3A_260 : vector<16xf32>
      %mul3A_262 = arith.mulf %add3A_252, %add3A_255 : vector<16xf32>
      %mul3A_263 = arith.mulf %add3A_258, %add3A_261 : vector<16xf32>
      %mul3A_264 = arith.mulf %mul3A_262, %mul3A_263 : vector<16xf32>
      %bitcast_convert_type3A = tpu.bitcast %mul3A_264 : vector<16xf32> -> vector<16xi32>
      %sub3A = arith.constant 1060439283 : i32
      %sub3A_265 = vector.broadcast %sub3A : i32 to vector<16xi32>
      %sub3A_266 = arith.subi %bitcast_convert_type3A, %sub3A_265 : vector<16xi32>
      %shift_right_arithmetic3A = arith.constant 23 : i32
      %shift_right_arithmetic3A_267 = vector.broadcast %shift_right_arithmetic3A : i32 to vector<16xi32>
      %shift_right_arithmetic3A_268 = arith.shrsi %sub3A_266, %shift_right_arithmetic3A_267 : vector<16xi32>
      %shift_left3A = arith.constant 23 : i32
      %shift_left3A_269 = vector.broadcast %shift_left3A : i32 to vector<16xi32>
      %shift_left3A_270 = arith.shli %shift_right_arithmetic3A_268, %shift_left3A_269 : vector<16xi32>
      %sub3A_271 = arith.subi %bitcast_convert_type3A, %shift_left3A_270 : vector<16xi32>
      %bitcast_convert_type3A_272 = tpu.bitcast %sub3A_271 : vector<16xi32> -> vector<16xf32>
      %sub3A_273 = arith.constant 1.000000e+00 : f32
      %sub3A_274 = vector.broadcast %sub3A_273 : f32 to vector<16xf32>
      %sub3A_275 = arith.subf %bitcast_convert_type3A_272, %sub3A_274 : vector<16xf32>
      %add3A_276 = arith.constant 1.000000e+00 : f32
      %add3A_277 = vector.broadcast %add3A_276 : f32 to vector<16xf32>
      %add3A_278 = arith.addf %bitcast_convert_type3A_272, %add3A_277 : vector<16xf32>
      %div3A = arith.divf %sub3A_275, %add3A_278 : vector<16xf32>
      %mul3A_279 = arith.mulf %div3A, %div3A : vector<16xf32>
      %mul3A_280 = arith.constant 4.000000e-01 : f32
      %mul3A_281 = vector.broadcast %mul3A_280 : f32 to vector<16xf32>
      %mul3A_282 = arith.mulf %mul3A_279, %mul3A_281 : vector<16xf32>
      %add3A_283 = arith.constant 0.666666686 : f32
      %add3A_284 = vector.broadcast %add3A_283 : f32 to vector<16xf32>
      %add3A_285 = arith.addf %add3A_284, %mul3A_282 : vector<16xf32>
      %mul3A_286 = arith.mulf %mul3A_279, %add3A_285 : vector<16xf32>
      %add3A_287 = arith.constant 2.000000e+00 : f32
      %add3A_288 = vector.broadcast %add3A_287 : f32 to vector<16xf32>
      %add3A_289 = arith.addf %add3A_288, %mul3A_286 : vector<16xf32>
      %mul3A_290 = arith.mulf %div3A, %add3A_289 : vector<16xf32>
      %convert_element_type3A = arith.sitofp %shift_right_arithmetic3A_268 : vector<16xi32> to vector<16xf32>
      %mul3A_291 = arith.constant 0.693147182 : f32
      %mul3A_292 = vector.broadcast %mul3A_291 : f32 to vector<16xf32>
      %mul3A_293 = arith.mulf %convert_element_type3A, %mul3A_292 : vector<16xf32>
      %add3A_294 = arith.addf %mul3A_293, %mul3A_290 : vector<16xf32>
      %mul3A_295 = arith.mulf %add3A_153, %add3A_159 : vector<16xf32>
      %mul3A_296 = arith.mulf %add3A_165, %add3A_171 : vector<16xf32>
      %mul3A_297 = arith.mulf %mul3A_295, %mul3A_296 : vector<16xf32>
      %bitcast_convert_type3A_298 = tpu.bitcast %mul3A_297 : vector<16xf32> -> vector<16xi32>
      %sub3A_299 = arith.constant 1060439283 : i32
      %sub3A_300 = vector.broadcast %sub3A_299 : i32 to vector<16xi32>
      %sub3A_301 = arith.subi %bitcast_convert_type3A_298, %sub3A_300 : vector<16xi32>
      %shift_right_arithmetic3A_302 = arith.constant 23 : i32
      %shift_right_arithmetic3A_303 = vector.broadcast %shift_right_arithmetic3A_302 : i32 to vector<16xi32>
      %shift_right_arithmetic3A_304 = arith.shrsi %sub3A_301, %shift_right_arithmetic3A_303 : vector<16xi32>
      %shift_left3A_305 = arith.constant 23 : i32
      %shift_left3A_306 = vector.broadcast %shift_left3A_305 : i32 to vector<16xi32>
      %shift_left3A_307 = arith.shli %shift_right_arithmetic3A_304, %shift_left3A_306 : vector<16xi32>
      %sub3A_308 = arith.subi %bitcast_convert_type3A_298, %shift_left3A_307 : vector<16xi32>
      %bitcast_convert_type3A_309 = tpu.bitcast %sub3A_308 : vector<16xi32> -> vector<16xf32>
      %sub3A_310 = arith.constant 1.000000e+00 : f32
      %sub3A_311 = vector.broadcast %sub3A_310 : f32 to vector<16xf32>
      %sub3A_312 = arith.subf %bitcast_convert_type3A_309, %sub3A_311 : vector<16xf32>
      %add3A_313 = arith.constant 1.000000e+00 : f32
      %add3A_314 = vector.broadcast %add3A_313 : f32 to vector<16xf32>
      %add3A_315 = arith.addf %bitcast_convert_type3A_309, %add3A_314 : vector<16xf32>
      %div3A_316 = arith.divf %sub3A_312, %add3A_315 : vector<16xf32>
      %mul3A_317 = arith.mulf %div3A_316, %div3A_316 : vector<16xf32>
      %mul3A_318 = arith.constant 4.000000e-01 : f32
      %mul3A_319 = vector.broadcast %mul3A_318 : f32 to vector<16xf32>
      %mul3A_320 = arith.mulf %mul3A_317, %mul3A_319 : vector<16xf32>
      %add3A_321 = arith.constant 0.666666686 : f32
      %add3A_322 = vector.broadcast %add3A_321 : f32 to vector<16xf32>
      %add3A_323 = arith.addf %add3A_322, %mul3A_320 : vector<16xf32>
      %mul3A_324 = arith.mulf %mul3A_317, %add3A_323 : vector<16xf32>
      %add3A_325 = arith.constant 2.000000e+00 : f32
      %add3A_326 = vector.broadcast %add3A_325 : f32 to vector<16xf32>
      %add3A_327 = arith.addf %add3A_326, %mul3A_324 : vector<16xf32>
      %mul3A_328 = arith.mulf %div3A_316, %add3A_327 : vector<16xf32>
      %convert_element_type3A_329 = arith.sitofp %shift_right_arithmetic3A_304 : vector<16xi32> to vector<16xf32>
      %mul3A_330 = arith.constant 0.693147182 : f32
      %mul3A_331 = vector.broadcast %mul3A_330 : f32 to vector<16xf32>
      %mul3A_332 = arith.mulf %convert_element_type3A_329, %mul3A_331 : vector<16xf32>
      %add3A_333 = arith.addf %mul3A_332, %mul3A_328 : vector<16xf32>
      %sub3A_334 = arith.subf %add3A_333, %add3A_294 : vector<16xf32>
      %add3A_335 = arith.constant 0 : i32
      %add3A_336 = arith.addi %add3A_335, %mul3A_146 : i32
      %swap3A = arith.index_cast %add3A_336 : i32 to index
      %swap3A_337 = tpu.vector_load %arg25[%swap3A] {strides = array<i32>} : memref<2048xf32, #tpu.memory_space<vmem>>, vector<16xf32>,
      %swap3A_338 = vector.shape_cast %swap3A_337 : vector<16xf32> to vector<16xf32>
      %swap3A_339 = vector.shape_cast %sub3A_334 : vector<16xf32> to vector<16xf32>
      tpu.vector_store %arg25[%swap3A], %swap3A_339 {strides = array<i32>} : memref<2048xf32, #tpu.memory_space<vmem>>, vector<16xf32>,
      %mul3A_340 = arith.mulf %add3A_179, %add3A_185 : vector<16xf32>
      %mul3A_341 = arith.mulf %add3A_191, %add3A_197 : vector<16xf32>
      %mul3A_342 = arith.mulf %mul3A_340, %mul3A_341 : vector<16xf32>
      %bitcast_convert_type3A_343 = tpu.bitcast %mul3A_342 : vector<16xf32> -> vector<16xi32>
      %sub3A_344 = arith.constant 1060439283 : i32
      %sub3A_345 = vector.broadcast %sub3A_344 : i32 to vector<16xi32>
      %sub3A_346 = arith.subi %bitcast_convert_type3A_343, %sub3A_345 : vector<16xi32>
      %shift_right_arithmetic3A_347 = arith.constant 23 : i32
      %shift_right_arithmetic3A_348 = vector.broadcast %shift_right_arithmetic3A_347 : i32 to vector<16xi32>
      %shift_right_arithmetic3A_349 = arith.shrsi %sub3A_346, %shift_right_arithmetic3A_348 : vector<16xi32>
      %shift_left3A_350 = arith.constant 23 : i32
      %shift_left3A_351 = vector.broadcast %shift_left3A_350 : i32 to vector<16xi32>
      %shift_left3A_352 = arith.shli %shift_right_arithmetic3A_349, %shift_left3A_351 : vector<16xi32>
      %sub3A_353 = arith.subi %bitcast_convert_type3A_343, %shift_left3A_352 : vector<16xi32>
      %bitcast_convert_type3A_354 = tpu.bitcast %sub3A_353 : vector<16xi32> -> vector<16xf32>
      %sub3A_355 = arith.constant 1.000000e+00 : f32
      %sub3A_356 = vector.broadcast %sub3A_355 : f32 to vector<16xf32>
      %sub3A_357 = arith.subf %bitcast_convert_type3A_354, %sub3A_356 : vector<16xf32>
      %add3A_358 = arith.constant 1.000000e+00 : f32
      %add3A_359 = vector.broadcast %add3A_358 : f32 to vector<16xf32>
      %add3A_360 = arith.addf %bitcast_convert_type3A_354, %add3A_359 : vector<16xf32>
      %div3A_361 = arith.divf %sub3A_357, %add3A_360 : vector<16xf32>
      %mul3A_362 = arith.mulf %div3A_361, %div3A_361 : vector<16xf32>
      %mul3A_363 = arith.constant 4.000000e-01 : f32
      %mul3A_364 = vector.broadcast %mul3A_363 : f32 to vector<16xf32>
      %mul3A_365 = arith.mulf %mul3A_362, %mul3A_364 : vector<16xf32>
      %add3A_366 = arith.constant 0.666666686 : f32
      %add3A_367 = vector.broadcast %add3A_366 : f32 to vector<16xf32>
      %add3A_368 = arith.addf %add3A_367, %mul3A_365 : vector<16xf32>
      %mul3A_369 = arith.mulf %mul3A_362, %add3A_368 : vector<16xf32>
      %add3A_370 = arith.constant 2.000000e+00 : f32
      %add3A_371 = vector.broadcast %add3A_370 : f32 to vector<16xf32>
      %add3A_372 = arith.addf %add3A_371, %mul3A_369 : vector<16xf32>
      %mul3A_373 = arith.mulf %div3A_361, %add3A_372 : vector<16xf32>
      %convert_element_type3A_374 = arith.sitofp %shift_right_arithmetic3A_349 : vector<16xi32> to vector<16xf32>
      %mul3A_375 = arith.constant 0.693147182 : f32
      %mul3A_376 = vector.broadcast %mul3A_375 : f32 to vector<16xf32>
      %mul3A_377 = arith.mulf %convert_element_type3A_374, %mul3A_376 : vector<16xf32>
      %add3A_378 = arith.addf %mul3A_377, %mul3A_373 : vector<16xf32>
      %sub3A_379 = arith.subf %add3A_378, %add3A_294 : vector<16xf32>
      %add3A_380 = arith.constant 512 : i32
      %add3A_381 = arith.addi %add3A_380, %mul3A_146 : i32
      %swap3A_382 = arith.index_cast %add3A_381 : i32 to index
      %swap3A_383 = tpu.vector_load %arg25[%swap3A_382] {strides = array<i32>} : memref<2048xf32, #tpu.memory_space<vmem>>, vector<16xf32>,
      %swap3A_384 = vector.shape_cast %swap3A_383 : vector<16xf32> to vector<16xf32>
      %swap3A_385 = vector.shape_cast %sub3A_379 : vector<16xf32> to vector<16xf32>
      tpu.vector_store %arg25[%swap3A_382], %swap3A_385 {strides = array<i32>} : memref<2048xf32, #tpu.memory_space<vmem>>, vector<16xf32>,
      %mul3A_386 = arith.mulf %add3A_205, %add3A_211 : vector<16xf32>
      %mul3A_387 = arith.mulf %add3A_217, %add3A_223 : vector<16xf32>
      %mul3A_388 = arith.mulf %mul3A_386, %mul3A_387 : vector<16xf32>
      %bitcast_convert_type3A_389 = tpu.bitcast %mul3A_388 : vector<16xf32> -> vector<16xi32>
      %sub3A_390 = arith.constant 1060439283 : i32
      %sub3A_391 = vector.broadcast %sub3A_390 : i32 to vector<16xi32>
      %sub3A_392 = arith.subi %bitcast_convert_type3A_389, %sub3A_391 : vector<16xi32>
      %shift_right_arithmetic3A_393 = arith.constant 23 : i32
      %shift_right_arithmetic3A_394 = vector.broadcast %shift_right_arithmetic3A_393 : i32 to vector<16xi32>
      %shift_right_arithmetic3A_395 = arith.shrsi %sub3A_392, %shift_right_arithmetic3A_394 : vector<16xi32>
      %shift_left3A_396 = arith.constant 23 : i32
      %shift_left3A_397 = vector.broadcast %shift_left3A_396 : i32 to vector<16xi32>
      %shift_left3A_398 = arith.shli %shift_right_arithmetic3A_395, %shift_left3A_397 : vector<16xi32>
      %sub3A_399 = arith.subi %bitcast_convert_type3A_389, %shift_left3A_398 : vector<16xi32>
      %bitcast_convert_type3A_400 = tpu.bitcast %sub3A_399 : vector<16xi32> -> vector<16xf32>
      %sub3A_401 = arith.constant 1.000000e+00 : f32
      %sub3A_402 = vector.broadcast %sub3A_401 : f32 to vector<16xf32>
      %sub3A_403 = arith.subf %bitcast_convert_type3A_400, %sub3A_402 : vector<16xf32>
      %add3A_404 = arith.constant 1.000000e+00 : f32
      %add3A_405 = vector.broadcast %add3A_404 : f32 to vector<16xf32>
      %add3A_406 = arith.addf %bitcast_convert_type3A_400, %add3A_405 : vector<16xf32>
      %div3A_407 = arith.divf %sub3A_403, %add3A_406 : vector<16xf32>
      %mul3A_408 = arith.mulf %div3A_407, %div3A_407 : vector<16xf32>
      %mul3A_409 = arith.constant 4.000000e-01 : f32
      %mul3A_410 = vector.broadcast %mul3A_409 : f32 to vector<16xf32>
      %mul3A_411 = arith.mulf %mul3A_408, %mul3A_410 : vector<16xf32>
      %add3A_412 = arith.constant 0.666666686 : f32
      %add3A_413 = vector.broadcast %add3A_412 : f32 to vector<16xf32>
      %add3A_414 = arith.addf %add3A_413, %mul3A_411 : vector<16xf32>
      %mul3A_415 = arith.mulf %mul3A_408, %add3A_414 : vector<16xf32>
      %add3A_416 = arith.constant 2.000000e+00 : f32
      %add3A_417 = vector.broadcast %add3A_416 : f32 to vector<16xf32>
      %add3A_418 = arith.addf %add3A_417, %mul3A_415 : vector<16xf32>
      %mul3A_419 = arith.mulf %div3A_407, %add3A_418 : vector<16xf32>
      %convert_element_type3A_420 = arith.sitofp %shift_right_arithmetic3A_395 : vector<16xi32> to vector<16xf32>
      %mul3A_421 = arith.constant 0.693147182 : f32
      %mul3A_422 = vector.broadcast %mul3A_421 : f32 to vector<16xf32>
      %mul3A_423 = arith.mulf %convert_element_type3A_420, %mul3A_422 : vector<16xf32>
      %add3A_424 = arith.addf %mul3A_423, %mul3A_419 : vector<16xf32>
      %sub3A_425 = arith.subf %add3A_424, %add3A_294 : vector<16xf32>
      %add3A_426 = arith.constant 1024 : i32
      %add3A_427 = arith.addi %add3A_426, %mul3A_146 : i32
      %swap3A_428 = arith.index_cast %add3A_427 : i32 to index
      %swap3A_429 = tpu.vector_load %arg25[%swap3A_428] {strides = array<i32>} : memref<2048xf32, #tpu.memory_space<vmem>>, vector<16xf32>,
      %swap3A_430 = vector.shape_cast %swap3A_429 : vector<16xf32> to vector<16xf32>
      %swap3A_431 = vector.shape_cast %sub3A_425 : vector<16xf32> to vector<16xf32>
      tpu.vector_store %arg25[%swap3A_428], %swap3A_431 {strides = array<i32>} : memref<2048xf32, #tpu.memory_space<vmem>>, vector<16xf32>,
      %mul3A_432 = arith.mulf %add3A_231, %add3A_237 : vector<16xf32>
      %mul3A_433 = arith.mulf %add3A_243, %add3A_249 : vector<16xf32>
      %mul3A_434 = arith.mulf %mul3A_432, %mul3A_433 : vector<16xf32>
      %bitcast_convert_type3A_435 = tpu.bitcast %mul3A_434 : vector<16xf32> -> vector<16xi32>
      %sub3A_436 = arith.constant 1060439283 : i32
      %sub3A_437 = vector.broadcast %sub3A_436 : i32 to vector<16xi32>
      %sub3A_438 = arith.subi %bitcast_convert_type3A_435, %sub3A_437 : vector<16xi32>
      %shift_right_arithmetic3A_439 = arith.constant 23 : i32
      %shift_right_arithmetic3A_440 = vector.broadcast %shift_right_arithmetic3A_439 : i32 to vector<16xi32>
      %shift_right_arithmetic3A_441 = arith.shrsi %sub3A_438, %shift_right_arithmetic3A_440 : vector<16xi32>
      %shift_left3A_442 = arith.constant 23 : i32
      %shift_left3A_443 = vector.broadcast %shift_left3A_442 : i32 to vector<16xi32>
      %shift_left3A_444 = arith.shli %shift_right_arithmetic3A_441, %shift_left3A_443 : vector<16xi32>
      %sub3A_445 = arith.subi %bitcast_convert_type3A_435, %shift_left3A_444 : vector<16xi32>
      %bitcast_convert_type3A_446 = tpu.bitcast %sub3A_445 : vector<16xi32> -> vector<16xf32>
      %sub3A_447 = arith.constant 1.000000e+00 : f32
      %sub3A_448 = vector.broadcast %sub3A_447 : f32 to vector<16xf32>
      %sub3A_449 = arith.subf %bitcast_convert_type3A_446, %sub3A_448 : vector<16xf32>
      %add3A_450 = arith.constant 1.000000e+00 : f32
      %add3A_451 = vector.broadcast %add3A_450 : f32 to vector<16xf32>
      %add3A_452 = arith.addf %bitcast_convert_type3A_446, %add3A_451 : vector<16xf32>
      %div3A_453 = arith.divf %sub3A_449, %add3A_452 : vector<16xf32>
      %mul3A_454 = arith.mulf %div3A_453, %div3A_453 : vector<16xf32>
      %mul3A_455 = arith.constant 4.000000e-01 : f32
      %mul3A_456 = vector.broadcast %mul3A_455 : f32 to vector<16xf32>
      %mul3A_457 = arith.mulf %mul3A_454, %mul3A_456 : vector<16xf32>
      %add3A_458 = arith.constant 0.666666686 : f32
      %add3A_459 = vector.broadcast %add3A_458 : f32 to vector<16xf32>
      %add3A_460 = arith.addf %add3A_459, %mul3A_457 : vector<16xf32>
      %mul3A_461 = arith.mulf %mul3A_454, %add3A_460 : vector<16xf32>
      %add3A_462 = arith.constant 2.000000e+00 : f32
      %add3A_463 = vector.broadcast %add3A_462 : f32 to vector<16xf32>
      %add3A_464 = arith.addf %add3A_463, %mul3A_461 : vector<16xf32>
      %mul3A_465 = arith.mulf %div3A_453, %add3A_464 : vector<16xf32>
      %convert_element_type3A_466 = arith.sitofp %shift_right_arithmetic3A_441 : vector<16xi32> to vector<16xf32>
      %mul3A_467 = arith.constant 0.693147182 : f32
      %mul3A_468 = vector.broadcast %mul3A_467 : f32 to vector<16xf32>
      %mul3A_469 = arith.mulf %convert_element_type3A_466, %mul3A_468 : vector<16xf32>
      %add3A_470 = arith.addf %mul3A_469, %mul3A_465 : vector<16xf32>
      %sub3A_471 = arith.subf %add3A_470, %add3A_294 : vector<16xf32>
      %add3A_472 = arith.constant 1536 : i32
      %add3A_473 = arith.addi %add3A_472, %mul3A_146 : i32
      %swap3A_474 = arith.index_cast %add3A_473 : i32 to index
      %swap3A_475 = tpu.vector_load %arg25[%swap3A_474] {strides = array<i32>} : memref<2048xf32, #tpu.memory_space<vmem>>, vector<16xf32>,
      %swap3A_476 = vector.shape_cast %swap3A_475 : vector<16xf32> to vector<16xf32>
      %swap3A_477 = vector.shape_cast %sub3A_471 : vector<16xf32> to vector<16xf32>
      tpu.vector_store %arg25[%swap3A_474], %swap3A_477 {strides = array<i32>} : memref<2048xf32, #tpu.memory_space<vmem>>, vector<16xf32>,
    }
    %scan3A_71 = arith.constant 32 : i32
    %dma_start3A_72 = arith.constant 0 : i32
    %dma_start3A_73 = arith.constant 0 : i32
    %dma_start3A_74 = tpu.memref_slice %arg25[%dma_start3A_73] : memref<2048xf32, #tpu.memory_space<vmem>> -> memref<512xf32, #tpu.memory_space<vmem>>
    %dma_start3A_75 = tpu.memref_slice %arg13[%dma_start3A_72, %mul3A_2] : memref<4x16384xf32, #tpu.memory_space<hbm>> -> memref<1x512xf32, #tpu.memory_space<hbm>>
    %dma_start3A_76 = tpu.memref_squeeze %dma_start3A_75 : memref<1x512xf32, #tpu.memory_space<hbm>> -> memref<512xf32, #tpu.memory_space<hbm>>
    %dma_start3A_77 = tpu.memref_slice %arg13[%dma_start3A_72, %mul3A_2] : memref<4x16384xf32, #tpu.memory_space<hbm>> -> memref<1x512xf32, #tpu.memory_space<hbm>>
    %dma_start3A_78 = tpu.memref_squeeze %dma_start3A_77 : memref<1x512xf32, #tpu.memory_space<hbm>> -> memref<512xf32, #tpu.memory_space<hbm>>
    %dma_start3A_79 = arith.constant 0 : i32
    %dma_start3A_80 = tpu.memref_slice %arg25[%dma_start3A_79] : memref<2048xf32, #tpu.memory_space<vmem>> -> memref<512xf32, #tpu.memory_space<vmem>>
    tpu.enqueue_dma source(%dma_start3A_80 : memref<512xf32, #tpu.memory_space<vmem>>) target(%dma_start3A_78 : memref<512xf32, #tpu.memory_space<hbm>>) target_semaphore(%arg28 : memref<!tpu.dma_semaphore, #tpu.memory_space<semaphore_mem>>)
    %dma_start3A_81 = arith.constant 1 : i32
    %dma_start3A_82 = arith.constant 512 : i32
    %dma_start3A_83 = tpu.memref_slice %arg25[%dma_start3A_82] : memref<2048xf32, #tpu.memory_space<vmem>> -> memref<512xf32, #tpu.memory_space<vmem>>
    %dma_start3A_84 = tpu.memref_slice %arg13[%dma_start3A_81, %mul3A_2] : memref<4x16384xf32, #tpu.memory_space<hbm>> -> memref<1x512xf32, #tpu.memory_space<hbm>>
    %dma_start3A_85 = tpu.memref_squeeze %dma_start3A_84 : memref<1x512xf32, #tpu.memory_space<hbm>> -> memref<512xf32, #tpu.memory_space<hbm>>
    %dma_start3A_86 = tpu.memref_slice %arg13[%dma_start3A_81, %mul3A_2] : memref<4x16384xf32, #tpu.memory_space<hbm>> -> memref<1x512xf32, #tpu.memory_space<hbm>>
    %dma_start3A_87 = tpu.memref_squeeze %dma_start3A_86 : memref<1x512xf32, #tpu.memory_space<hbm>> -> memref<512xf32, #tpu.memory_space<hbm>>
    %dma_start3A_88 = arith.constant 512 : i32
    %dma_start3A_89 = tpu.memref_slice %arg25[%dma_start3A_88] : memref<2048xf32, #tpu.memory_space<vmem>> -> memref<512xf32, #tpu.memory_space<vmem>>
    tpu.enqueue_dma source(%dma_start3A_89 : memref<512xf32, #tpu.memory_space<vmem>>) target(%dma_start3A_87 : memref<512xf32, #tpu.memory_space<hbm>>) target_semaphore(%arg28 : memref<!tpu.dma_semaphore, #tpu.memory_space<semaphore_mem>>)
    %dma_start3A_90 = arith.constant 2 : i32
    %dma_start3A_91 = arith.constant 1024 : i32
    %dma_start3A_92 = tpu.memref_slice %arg25[%dma_start3A_91] : memref<2048xf32, #tpu.memory_space<vmem>> -> memref<512xf32, #tpu.memory_space<vmem>>
    %dma_start3A_93 = tpu.memref_slice %arg13[%dma_start3A_90, %mul3A_2] : memref<4x16384xf32, #tpu.memory_space<hbm>> -> memref<1x512xf32, #tpu.memory_space<hbm>>
    %dma_start3A_94 = tpu.memref_squeeze %dma_start3A_93 : memref<1x512xf32, #tpu.memory_space<hbm>> -> memref<512xf32, #tpu.memory_space<hbm>>
    %dma_start3A_95 = tpu.memref_slice %arg13[%dma_start3A_90, %mul3A_2] : memref<4x16384xf32, #tpu.memory_space<hbm>> -> memref<1x512xf32, #tpu.memory_space<hbm>>
    %dma_start3A_96 = tpu.memref_squeeze %dma_start3A_95 : memref<1x512xf32, #tpu.memory_space<hbm>> -> memref<512xf32, #tpu.memory_space<hbm>>
    %dma_start3A_97 = arith.constant 1024 : i32
    %dma_start3A_98 = tpu.memref_slice %arg25[%dma_start3A_97] : memref<2048xf32, #tpu.memory_space<vmem>> -> memref<512xf32, #tpu.memory_space<vmem>>
    tpu.enqueue_dma source(%dma_start3A_98 : memref<512xf32, #tpu.memory_space<vmem>>) target(%dma_start3A_96 : memref<512xf32, #tpu.memory_space<hbm>>) target_semaphore(%arg28 : memref<!tpu.dma_semaphore, #tpu.memory_space<semaphore_mem>>)
    %dma_start3A_99 = arith.constant 3 : i32
    %dma_start3A_100 = arith.constant 1536 : i32
    %dma_start3A_101 = tpu.memref_slice %arg25[%dma_start3A_100] : memref<2048xf32, #tpu.memory_space<vmem>> -> memref<512xf32, #tpu.memory_space<vmem>>
    %dma_start3A_102 = tpu.memref_slice %arg13[%dma_start3A_99, %mul3A_2] : memref<4x16384xf32, #tpu.memory_space<hbm>> -> memref<1x512xf32, #tpu.memory_space<hbm>>
    %dma_start3A_103 = tpu.memref_squeeze %dma_start3A_102 : memref<1x512xf32, #tpu.memory_space<hbm>> -> memref<512xf32, #tpu.memory_space<hbm>>
    %dma_start3A_104 = tpu.memref_slice %arg13[%dma_start3A_99, %mul3A_2] : memref<4x16384xf32, #tpu.memory_space<hbm>> -> memref<1x512xf32, #tpu.memory_space<hbm>>
    %dma_start3A_105 = tpu.memref_squeeze %dma_start3A_104 : memref<1x512xf32, #tpu.memory_space<hbm>> -> memref<512xf32, #tpu.memory_space<hbm>>
    %dma_start3A_106 = arith.constant 1536 : i32
    %dma_start3A_107 = tpu.memref_slice %arg25[%dma_start3A_106] : memref<2048xf32, #tpu.memory_space<vmem>> -> memref<512xf32, #tpu.memory_space<vmem>>
    tpu.enqueue_dma source(%dma_start3A_107 : memref<512xf32, #tpu.memory_space<vmem>>) target(%dma_start3A_105 : memref<512xf32, #tpu.memory_space<hbm>>) target_semaphore(%arg28 : memref<!tpu.dma_semaphore, #tpu.memory_space<semaphore_mem>>)
    %dma_wait3A_108 = arith.constant 0 : i32
    %dma_wait3A_109 = arith.constant 0 : i32
    %dma_wait3A_110 = tpu.memref_slice %arg25[%dma_wait3A_109] : memref<2048xf32, #tpu.memory_space<vmem>> -> memref<512xf32, #tpu.memory_space<vmem>>
    %dma_wait3A_111 = tpu.memref_slice %arg13[%dma_wait3A_108, %mul3A_2] : memref<4x16384xf32, #tpu.memory_space<hbm>> -> memref<1x512xf32, #tpu.memory_space<hbm>>
    %dma_wait3A_112 = tpu.memref_squeeze %dma_wait3A_111 : memref<1x512xf32, #tpu.memory_space<hbm>> -> memref<512xf32, #tpu.memory_space<hbm>>
    %dma_wait3A_113 = tpu.memref_slice %arg13[%dma_wait3A_108, %mul3A_2] : memref<4x16384xf32, #tpu.memory_space<hbm>> -> memref<1x512xf32, #tpu.memory_space<hbm>>
    %dma_wait3A_114 = tpu.memref_squeeze %dma_wait3A_113 : memref<1x512xf32, #tpu.memory_space<hbm>> -> memref<512xf32, #tpu.memory_space<hbm>>
    %dma_wait3A_115 = arith.constant 0 : i32
    %dma_wait3A_116 = tpu.memref_slice %arg25[%dma_wait3A_115] : memref<2048xf32, #tpu.memory_space<vmem>> -> memref<512xf32, #tpu.memory_space<vmem>>
    tpu.wait_dma2 semaphore(%arg28 : memref<!tpu.dma_semaphore, #tpu.memory_space<semaphore_mem>>) src(%dma_wait3A_116 : memref<512xf32, #tpu.memory_space<vmem>>) dst(%dma_wait3A_114 : memref<512xf32, #tpu.memory_space<hbm>>)
    %dma_wait3A_117 = arith.constant 1 : i32
    %dma_wait3A_118 = arith.constant 512 : i32
    %dma_wait3A_119 = tpu.memref_slice %arg25[%dma_wait3A_118] : memref<2048xf32, #tpu.memory_space<vmem>> -> memref<512xf32, #tpu.memory_space<vmem>>
    %dma_wait3A_120 = tpu.memref_slice %arg13[%dma_wait3A_117, %mul3A_2] : memref<4x16384xf32, #tpu.memory_space<hbm>> -> memref<1x512xf32, #tpu.memory_space<hbm>>
    %dma_wait3A_121 = tpu.memref_squeeze %dma_wait3A_120 : memref<1x512xf32, #tpu.memory_space<hbm>> -> memref<512xf32, #tpu.memory_space<hbm>>
    %dma_wait3A_122 = tpu.memref_slice %arg13[%dma_wait3A_117, %mul3A_2] : memref<4x16384xf32, #tpu.memory_space<hbm>> -> memref<1x512xf32, #tpu.memory_space<hbm>>
    %dma_wait3A_123 = tpu.memref_squeeze %dma_wait3A_122 : memref<1x512xf32, #tpu.memory_space<hbm>> -> memref<512xf32, #tpu.memory_space<hbm>>
    %dma_wait3A_124 = arith.constant 512 : i32
    %dma_wait3A_125 = tpu.memref_slice %arg25[%dma_wait3A_124] : memref<2048xf32, #tpu.memory_space<vmem>> -> memref<512xf32, #tpu.memory_space<vmem>>
    tpu.wait_dma2 semaphore(%arg28 : memref<!tpu.dma_semaphore, #tpu.memory_space<semaphore_mem>>) src(%dma_wait3A_125 : memref<512xf32, #tpu.memory_space<vmem>>) dst(%dma_wait3A_123 : memref<512xf32, #tpu.memory_space<hbm>>)
    %dma_wait3A_126 = arith.constant 2 : i32
    %dma_wait3A_127 = arith.constant 1024 : i32
    %dma_wait3A_128 = tpu.memref_slice %arg25[%dma_wait3A_127] : memref<2048xf32, #tpu.memory_space<vmem>> -> memref<512xf32, #tpu.memory_space<vmem>>
    %dma_wait3A_129 = tpu.memref_slice %arg13[%dma_wait3A_126, %mul3A_2] : memref<4x16384xf32, #tpu.memory_space<hbm>> -> memref<1x512xf32, #tpu.memory_space<hbm>>
    %dma_wait3A_130 = tpu.memref_squeeze %dma_wait3A_129 : memref<1x512xf32, #tpu.memory_space<hbm>> -> memref<512xf32, #tpu.memory_space<hbm>>
    %dma_wait3A_131 = tpu.memref_slice %arg13[%dma_wait3A_126, %mul3A_2] : memref<4x16384xf32, #tpu.memory_space<hbm>> -> memref<1x512xf32, #tpu.memory_space<hbm>>
    %dma_wait3A_132 = tpu.memref_squeeze %dma_wait3A_131 : memref<1x512xf32, #tpu.memory_space<hbm>> -> memref<512xf32, #tpu.memory_space<hbm>>
    %dma_wait3A_133 = arith.constant 1024 : i32
    %dma_wait3A_134 = tpu.memref_slice %arg25[%dma_wait3A_133] : memref<2048xf32, #tpu.memory_space<vmem>> -> memref<512xf32, #tpu.memory_space<vmem>>
    tpu.wait_dma2 semaphore(%arg28 : memref<!tpu.dma_semaphore, #tpu.memory_space<semaphore_mem>>) src(%dma_wait3A_134 : memref<512xf32, #tpu.memory_space<vmem>>) dst(%dma_wait3A_132 : memref<512xf32, #tpu.memory_space<hbm>>)
    %dma_wait3A_135 = arith.constant 3 : i32
    %dma_wait3A_136 = arith.constant 1536 : i32
    %dma_wait3A_137 = tpu.memref_slice %arg25[%dma_wait3A_136] : memref<2048xf32, #tpu.memory_space<vmem>> -> memref<512xf32, #tpu.memory_space<vmem>>
    %dma_wait3A_138 = tpu.memref_slice %arg13[%dma_wait3A_135, %mul3A_2] : memref<4x16384xf32, #tpu.memory_space<hbm>> -> memref<1x512xf32, #tpu.memory_space<hbm>>
    %dma_wait3A_139 = tpu.memref_squeeze %dma_wait3A_138 : memref<1x512xf32, #tpu.memory_space<hbm>> -> memref<512xf32, #tpu.memory_space<hbm>>
    %dma_wait3A_140 = tpu.memref_slice %arg13[%dma_wait3A_135, %mul3A_2] : memref<4x16384xf32, #tpu.memory_space<hbm>> -> memref<1x512xf32, #tpu.memory_space<hbm>>
    %dma_wait3A_141 = tpu.memref_squeeze %dma_wait3A_140 : memref<1x512xf32, #tpu.memory_space<hbm>> -> memref<512xf32, #tpu.memory_space<hbm>>
    %dma_wait3A_142 = arith.constant 1536 : i32
    %dma_wait3A_143 = tpu.memref_slice %arg25[%dma_wait3A_142] : memref<2048xf32, #tpu.memory_space<vmem>> -> memref<512xf32, #tpu.memory_space<vmem>>
    tpu.wait_dma2 semaphore(%arg28 : memref<!tpu.dma_semaphore, #tpu.memory_space<semaphore_mem>>) src(%dma_wait3A_143 : memref<512xf32, #tpu.memory_space<vmem>>) dst(%dma_wait3A_141 : memref<512xf32, #tpu.memory_space<hbm>>)
    return
  }
}

</mosaic_0001>

<sc_bundles>
// kernel: kernel.3.cloned.1.call-start
scs
__scs_entry_jumppad:
0x0: {  	(pc) =	sbr.rel $0x88, $3  }
0x1: {  	(tag) =	ssettag $0x0;
	lr =	simm.s32 $0x1  }
0x2: {  	[smem:$0x3F9B] =	sst lr;
	_ =	strace $0xD0000000  }
0x3: {  	_ = 	snop  }
0x4: {  	_ = 	snop  }
0x5: {  	_ = 	snop  }
0x6: {  	_ = 	snop  }
0x7: {  	_ = 	snop  }
__scs_overlays_trampoline_lowered:
0x8: {  	[smem:$0x3FAA] =	sst s0  }
0x9: {  	[smem:$0x3FAB] =	sst s1  }
0xa: {  	[smem:$0x3FAC] =	sst s2  }
0xb: {  	[smem:$0x3FAD] =	sst s3  }
0xc: {  	[smem:$0x3FAE] =	sst s4  }
0xd: {  	[smem:$0x3FAF] =	sst s5  }
0xe: {  	[smem:$0x3FB0] =	sst s6  }
0xf: {  	[smem:$0x3FB1] =	sst s7  }
0x10: {  	[smem:$0x3FB2] =	sst s8  }
0x11: {  	[smem:$0x3FB3] =	sst s9;
	s0 =	simm.s32 @!p0 $0x0  }
0x12: {  	s1 =	sld [smem:$0x3F99];
	s0 =	simm.s32 @p0 $0x1  }
0x13: {  	[smem:$0x3FB4] =	sst s0;
	s0 =	simm.s32 @!p1 $0x0  }
0x14: {  	s2 =	sld [smem:$0x3F98];
	s0 =	simm.s32 @p1 $0x1  }
0x15: {  	[smem:$0x3FB5] =	sst s0;
	s0 =	simm.s32 @!p2 $0x0  }
0x16: {  	s3 =	sld [smem:$0x3FDB];
	s0 =	simm.s32 @p2 $0x1  }
0x17: {  	s4 =	simm.s32 $0x1BF5;
	[smem:$0x3FB7] =	sst s0  }
0x18: {  	s0 =	sld [smem:$0x3F9A];
	_ =	swait.ge [sflag:s4], $0x0  }
0x19: {  	s7 =	sld [smem:$0x3F9B]  }
0x1a: {  	s8 =	sadd.s32 $0xFFFFE003, lr  }
0x1b: {  	s9 =	sadd.s32 $0xFFFFFEF7, lr;
	s5 =	simm.s32 $0xFFFFFFFF;
	p2 =	slt.u32 s8, $0xFFFFF086  }
0x1c: {  	p1 =	slt.u32 s9, $0xF7A;
	s5 =	simm.s32 @!p2 $0x0  }
0x1d: {  	s5 =	simm.s32 @p1 $0x1;
	p0 =	seq.s32 s7, s2  }
0x1e: {  	s7 =	smul.u32 @!p0 $0xF7A, s2;
	p2 =	seq.s32 @!p0 s5, $0x0  }
0x1f: {  	s9 =	smul.u32 $0xF7A, s1;
	s8 =	simm.s32 @!p0 $0x1BF5;
	p2 =	por !p2, p0  }
0x20: {  	[sflag:s8] =	ssyncset.s32 @!p0 $0xFFFFF086;
	s6 =	sadd.s32 @!p0 s3, s7;
	s7 =	simm.s32 @!p0 $0x108  }
0x21: {  	s3 =	sadd.s32 s3, s9;
	s6 =	sadd.s32 @!p0 $0x88, s6;
	s7 =	simm.s32 @p2 $0x1082  }
0x22: {  	[simem:s7], [sflag:s8] =	dma.local @!p0 [hbm:s6], $0xF7A  }
0x23: {  	s9 =	sor.u32 $0xD0000000, s2;
	s6 =	simm.s32 $0x108;
	_ =	swait.ge @!p0 [sflag:s8], $0x0  }
0x24: {  	s3 =	sadd.s32 $0x88, s3;
	s6 =	simm.s32 @!p1 $0x1082;
	[sflag:s4] =	ssyncset.s32 $0xFFFFF086  }
0x25: {  	[simem:s6], [sflag:s4] =	dma.local [hbm:s3], $0xF7A  }
0x26: {  	[smem:$0x3F9B] =	sst s1;
	(tag) =	ssettag s2;
	_ =	strace s9  }
0x27: {  	s1 =	sld [smem:$0x3FAB]  }
0x28: {  	s2 =	sld [smem:$0x3FAC]  }
0x29: {  	s4 =	sld [smem:$0x3FAE]  }
0x2a: {  	p0 =	seq.s32 s5, $0x0;
	s5 =	sld [smem:$0x3FAF]  }
0x2b: {  	s6 =	sld [smem:$0x3FB0]  }
0x2c: {  	s7 =	sld [smem:$0x3FB1]  }
0x2d: {  	s3 =	simm.s32 $0x108;
	s8 =	sld [smem:$0x3FB2]  }
0x2e: {  	s3 =	simm.s32 @!p0 $0x1082;
	s9 =	sld [smem:$0x3FB3]  }
0x2f: {  	lr =	sadd.s32 s0, s3;
	s0 =	sld [smem:$0x3FAA]  }
0x30: {  	s3 =	sld [smem:$0x3FAD]  }
0x31: {  	[smem:$0x3FB6] =	sst s10  }
0x32: {  	s10 =	sld [smem:$0x3FB4];
	_ =	sdelay $0x3  }
0x33: {  	p0 =	seq.s32 s10, $0x1;
	s10 =	sld [smem:$0x3FB6];
	_ =	sdelay $0x3  }
0x34: {  	[smem:$0x3FB6] =	sst s10  }
0x35: {  	s10 =	sld [smem:$0x3FB5];
	_ =	sdelay $0x3  }
0x36: {  	p1 =	seq.s32 s10, $0x1;
	s10 =	sld [smem:$0x3FB6];
	_ =	sdelay $0x3  }
0x37: {  	[smem:$0x3FB6] =	sst s10  }
0x38: {  	s10 =	sld [smem:$0x3FB7]  }
0x39: {  	_ = 	snop;
	(pc) =	sbr.ind lr, $3  }
0x3a: {  	_ = 	snop  }
0x3b: {  	_ = 	snop  }
0x3c: {  	p2 =	seq.s32 s10, $0x1;
	s10 =	sld [smem:$0x3FB6]  }
0x3d: {  	_ =	shalt  }
0x3e: {  	_ =	shalt  }
0x3f: {  	_ =	shalt  }
0x40: {  	_ =	shalt  }
0x41: {  	_ =	shalt  }
0x42: {  	_ =	shalt  }
0x43: {  	_ =	shalt  }
0x44: {  	_ =	shalt  }
0x45: {  	_ =	shalt  }
0x46: {  	_ =	shalt  }
0x47: {  	_ =	shalt  }
0x48: {  	_ =	shalt  }
0x49: {  	_ =	shalt  }
0x4a: {  	_ =	shalt  }
0x4b: {  	_ =	shalt  }
0x4c: {  	_ =	shalt  }
0x4d: {  	_ =	shalt  }
0x4e: {  	_ =	shalt  }
0x4f: {  	_ =	shalt  }
0x50: {  	_ =	shalt  }
0x51: {  	_ =	shalt  }
0x52: {  	_ =	shalt  }
0x53: {  	_ =	shalt  }
0x54: {  	_ =	shalt  }
0x55: {  	_ =	shalt  }
0x56: {  	_ =	shalt  }
0x57: {  	_ =	shalt  }
0x58: {  	_ =	shalt  }
0x59: {  	_ =	shalt  }
0x5a: {  	_ =	shalt  }
0x5b: {  	_ =	shalt  }
0x5c: {  	_ =	shalt  }
0x5d: {  	_ =	shalt  }
0x5e: {  	_ =	shalt  }
0x5f: {  	_ =	shalt  }
0x60: {  	_ =	shalt  }
0x61: {  	_ =	shalt  }
0x62: {  	_ =	shalt  }
0x63: {  	_ =	shalt  }
0x64: {  	_ =	shalt  }
0x65: {  	_ =	shalt  }
0x66: {  	_ =	shalt  }
0x67: {  	_ =	shalt  }
0x68: {  	_ =	shalt  }
0x69: {  	_ =	shalt  }
0x6a: {  	_ =	shalt  }
0x6b: {  	_ =	shalt  }
0x6c: {  	_ =	shalt  }
0x6d: {  	_ =	shalt  }
0x6e: {  	_ =	shalt  }
0x6f: {  	_ =	shalt  }
0x70: {  	_ =	shalt  }
0x71: {  	_ =	shalt  }
0x72: {  	_ =	shalt  }
0x73: {  	_ =	shalt  }
0x74: {  	_ =	shalt  }
0x75: {  	_ =	shalt  }
0x76: {  	_ =	shalt  }
0x77: {  	_ =	shalt  }
0x78: {  	_ =	shalt  }
0x79: {  	_ =	shalt  }
0x7a: {  	_ =	shalt  }
0x7b: {  	_ =	shalt  }
0x7c: {  	_ =	shalt  }
0x7d: {  	_ =	shalt  }
0x7e: {  	_ =	shalt  }
0x7f: {  	_ =	shalt  }
0x80: {  	_ =	shalt  }
0x81: {  	_ =	shalt  }
0x82: {  	_ =	shalt  }
0x83: {  	_ =	shalt  }
0x84: {  	_ =	shalt  }
0x85: {  	_ =	shalt  }
0x86: {  	_ =	shalt  }
0x87: {  	_ =	shalt  }
.Lfunc_end0:
.L_simem_size_0:
called_computation_lowered:
.L_overlay_start_0:
0x88: {  	s2 =	sld [smem:$0x3FD9]  }
0x89: {  	s3 =	sld [smem:$0x3FFE];
	_ =	sdelay $0x1  }
0x8a: {  	s1 =	srdreg.scid  }
0x8b: {  	s0 =	sand.u32 $0x1, s1  }
0x8c: {  	s17 =	sshll.u32 s0, $0xA;
	s2 =	sadd.s32 s3, s2  }
0x8d: {  	s2 =	sadd.s32 s2, s17  }
0x8e: {  	[smem:$0x3FC2] =	sst s2  }
0x8f: {  	_ = 	snop  }
0x90: {  	s2 =	sld [smem:$0x3FC9]  }
0x91: {  	s18 =	sld [smem:$0x3FC7]  }
0x92: {  	s4 =	sld [smem:$0x3FC6]  }
0x93: {  	s5 =	sld [smem:$0x3FC5]  }
0x94: {  	s6 =	sld [smem:$0x3FC4]  }
0x95: {  	s7 =	sld [smem:$0x3FD0];
	(tm) =	ssettm $0x1  }
0x96: {  	s8 =	sld [smem:$0x3FFB];
	_ =	sdelay $0x3  }
0x97: {  	_ =	strace s8  }
0x98: {  	s8 =	sld [smem:$0x3FFC];
	_ =	sdelay $0x3  }
0x99: {  	_ =	strace s8  }
0x9a: {  	s8 =	sld [smem:$0x3FFD];
	_ =	sdelay $0x3  }
0x9b: {  	_ =	strace s8  }
0x9c: {  	_ =	strace $0x8FFFFFFF  }
0x9d: {  	s19 =	sld [smem:$0x3FDB];
	_ =	sdelay $0x1  }
0x9e: {  	s9 =	simm.s32 $_scs_section_size  }
0x9f: {  	s10 =	simm.s32 $_size__tile_overlayer_lowered;
	s11 =	simm.s32 $_tile_overlayer_lowered  }
0xa0: {  	s22 =	simm.s32 $0x1BFF;
	s21 =	sshll.u32 s11, $0x1;
	s8 =	sadd.s32 s9, s19  }
0xa1: {  	s12 =	simm.s32 $0x0;
	s20 =	sshll.u32 s10, $0x1;
	s10 =	sadd.s32 s21, s8  }
0xa2: {  	[timem:s12], [sflag:s22] =	dma.local [hbm:s10], s20  }
0xa3: {  	_ =	swait.ge [sflag:s22], s20  }
0xa4: {  	s9 =	ssub.s32 $0x0, s20;
	[sflag:s22] =	ssyncset.done $0x0  }
0xa5: {  	[sflag:s22] =	ssyncadd.s32 s9;
	_ =	sdelay $0x1  }
0xa6: {  	s23 =	simm.s32 $0x1B8B  }
0xa7: {  	_ =	swait.ge [sflag:s23], $0x1  }
0xa8: {  	[sflag:s23] =	ssyncset.done $0x0  }
0xa9: {  	s25 =	simm.s32 $0x1B8E;
	s24 =	sld [smem:$0x3FFE];
	[sflag:s23] =	ssyncadd.s32 $0xFFFFFFFF  }
0xaa: {  	s26 =	simm.s32 $execute0_lowered;
	[smem:$0x3FD2] =	sst s25  }
0xab: {  	s10 =	sshll.u32 s26, $0x1;
	_ =	strace $0x80000046;
	[dreg:$0x1] =	wrdreg $0xFFFFFFFF  }
0xac: {  	s28 =	simm.s32 $_size_execute0_lowered;
	s8 =	sadd.s32 s8, s10;
	[dreg:$0x0] =	wrdreg $0x0  }
0xad: {  	s10 =	sshll.u32 s28, $0x1;
	[dreg:$0x2] =	wrdreg s8  }
0xae: {  	[dreg:$0x3] =	wrdreg s10  }
0xaf: {  	[dreg:$0x4] =	wrdreg $0xC0  }
0xb0: {  	_ =	task [dreg:s12], $0x5FFFF  }
0xb1: {  	[dreg:$0x1] =	wrdreg $0xFFFFFFFF  }
0xb2: {  	[dreg:$0x0] =	wrdreg $0x60  }
0xb3: {  	[dreg:$0x2] =	wrdreg s2  }
0xb4: {  	[dreg:$0x3] =	wrdreg s24  }
0xb5: {  	[dreg:$0x4] =	wrdreg s18  }
0xb6: {  	[dreg:$0x5] =	wrdreg s4  }
0xb7: {  	[dreg:$0x6] =	wrdreg s5  }
0xb8: {  	[dreg:$0x7] =	wrdreg s6  }
0xb9: {  	[dreg:$0x8] =	wrdreg s7  }
0xba: {  	[dreg:$0x9] =	wrdreg $0x9  }
0xbb: {  	_ =	task.clear_ibuf [dreg:s12], $0xAFFFF;
	_ =	strace $0x90000046  }
0xbc: {  	s29 =	simm.s32 $0x9;
	_ =	strace $0x80000048  }
0xbd: {  	_ =	swait.ge [sflag:s29], $0x1  }
0xbe: {  	[sflag:s29] =	ssyncadd.s32 $0xFFFFFFFF  }
0xbf: {  	_ =	strace $0x90000048  }
0xc0: {  	_ =	sfence  }
0xc1: {  	s30 =	sld [smem:$0x0];
	_ =	sdelay $0x2  }
0xc2: {  	s31 =	sshll.u32 s1, $0xD;
	s1 =	sshrl.u32 s1, $0x2  }
0xc3: {  	s3 =	sand.u32 $0x4000, s31;
	s1 =	sadd.s32 s1, s30  }
0xc4: {  	s0 =	sor.u32 s3, s0;
	s1 =	sshll.u32 s1, $0x11  }
0xc5: {  	s0 =	sor.u32 s1, s0  }
0xc6: {  	s0 =	sadd.s32 $0x8F2B, s0  }
0xc7: {  	[sflag:s0] =	ssyncadd.remote.s32 $0x1  }
0xc8: {  	_ =	sfence.sel $0xFFFF  }
0xc9: {  	[dreg:$0x0] =	wrdreg $0xFFFFFFFF;
	(pc) =	sbr.abs _section_cstart, $3  }
0xca: {  	[dreg:$0x1] =	wrdreg $0xFFFFFFFF  }
0xcb: {  	_ =	task.clear_ibuf [dreg:s12], $0x2FFFF;
	_ =	strace $0x9FFFFFFF  }
0xcc: {  	(tm) =	ssettm $0x7FFFFFFF  }
0xcd: {  	_ =	shalt  }
tec
execute0_lowered:
.L_overlay_start_1:
0x0: {  	(tag) =	ssettag $0x1  }
0x1: {  	s0 =	rddreg [dreg:$0x0]  }
0x2: {  	s1 =	rddreg [dreg:$0x1]  }
0x3: {  	s2 =	rddreg [dreg:$0x6]  }
0x4: {  	s3 =	srdreg.scid;
	s4 =	stileid.u32  }
0x5: {  	s6 =	simm.s32 $0x0;
	s19 =	simm.s32 $0x1;
	s20 =	simm.s32 $0x200  }
0x6: {  	s22 =	simm.s32 $0x600;
	s23 =	simm.s32 $0x800;
	s21 =	simm.s32 $0x4A00  }
0x7: {  	s24 =	simm.s32 $0x4C00;
	s25 =	simm.s32 $0x3;
	s26 =	simm.s32 $0x0  }
0x8: {  	s3 =	sand.u32 $0x1, s3;
	s4 =	sshll.u32 s4, $0xA;
	[smem:$0x7FF] =	sst s6  }
0x9: {  	s7 =	sadd.s32 $0x9800, s1;
	s8 =	sadd.s32 $0x6600, s1;
	s9 =	sadd.s32 $0x3400, s1  }
0xa: {  	s10 =	sadd.s32 $0x200, s1;
	s5 =	sshll.u32 s3, $0x9;
	s3 =	ssub.s32 $0x2, s3  }
0xb: {  	_ =	strace $0x80000047;
	s4 =	sor.u32 s5, s4;
	s11 =	sshrl.u32 s3, $0x1  }
0xc: {  	s5 =	sshrl.u32 s4, $0x3;
	s30 =	ssub.s32 s3, s11;
	s31 =	sshrl.u32 s4, $0x1  }
0xd: {  	s4 =	simm.s32 $0x3E00;
	s3 =	simm.s32 $0x4600;
	s14 =	sadd.s32 s5, s1  }
0xe: {  	s11 =	sadd.s32 s0, s5;
	s13 =	sadd.s32 s2, s31;
	s18 =	smax.u32 s30, $0x1  }
0xf: {  	s0 =	simm.s32 $0x1E00;
	s1 =	simm.s32 $0x2;
	s2 =	simm.s32 $0x80  }
0x10: {  	s5 =	simm.s32 $0x4800;
	s12 =	sadd.s32 $0xCA00, s14;
	s14 =	sadd.s32 $0xD200, s14  }
0x11: {  	s15 =	sadd.s32 $0x10, s13;
	s16 =	sadd.s32 $0x20, s13;
	s17 =	sadd.s32 $0x30, s13  }
.LBB2_1:
0x12: {  	[tilespmem:s6], [sflag:$0x1] =	stream.linear.gather [hbm4b:s11+s6], $0x200, $0x38;
	[tilespmem:$0x4E00] =	vst v63  }
0x13: {  	_ =	swait.ge [sflag:s19], $0x200  }
0x14: {  	[sflag:s19] =	ssyncset.done $0x0  }
0x15: {  	[sflag:s19] =	ssyncadd.s32 $0xFFFFFE00  }
0x16: {  	[tilespmem:s20], [sflag:$0x1] =	stream.linear.gather [hbm4b:s12+s6], $0x200, $0x38;
	[tilespmem:$0x4E00] =	vst v63  }
0x17: {  	s28 =	simm.s32 $0x400  }
0x18: {  	[tilespmem:s28], [sflag:$0x1] =	stream.linear.gather [hbm4b:s14+s6], $0x200, $0x38;
	[tilespmem:$0x4E00] =	vst v63  }
0x19: {  	_ = 	snop  }
0x1a: {  	[tilespmem:s22], [sflag:$0x1] =	stream.indirect.gather [hbm4b:s7+s20], $0x1, s6, s20, $0xb8;
	[tilespmem:$0x4E00] =	vst v63  }
0x1b: {  	_ = 	snop  }
0x1c: {  	[tilespmem:s23], [sflag:$0x1] =	stream.indirect.gather [hbm4b:s8+s20], $0x1, s6, s20, $0xb8;
	[tilespmem:$0x4E00] =	vst v63  }
0x1d: {  	s28 =	simm.s32 $0xA00  }
0x1e: {  	[tilespmem:s28], [sflag:$0x1] =	stream.indirect.gather [hbm4b:s9+s20], $0x1, s6, s20, $0xb8;
	[tilespmem:$0x4E00] =	vst v63  }
0x1f: {  	s28 =	simm.s32 $0xC00  }
0x20: {  	[tilespmem:s28], [sflag:$0x1] =	stream.indirect.gather [hbm4b:s10+s20], $0x1, s6, s20, $0xb8;
	[tilespmem:$0x4E00] =	vst v63  }
0x21: {  	_ =	swait.ge [sflag:s19], $0x200  }
0x22: {  	[sflag:s19] =	ssyncset.done $0x0  }
0x23: {  	[sflag:s19] =	ssyncadd.s32 $0xFFFFFE00  }
0x24: {  	_ =	swait.ge [sflag:s19], $0x200  }
0x25: {  	[sflag:s19] =	ssyncset.done $0x0  }
0x26: {  	[sflag:s19] =	ssyncadd.s32 $0xFFFFFE00  }
0x27: {  	_ =	swait.ge [sflag:s19], $0x200  }
0x28: {  	[sflag:s19] =	ssyncset.done $0x0  }
0x29: {  	[sflag:s19] =	ssyncadd.s32 $0xFFFFFE00  }
0x2a: {  	_ =	swait.ge [sflag:s19], $0x200  }
0x2b: {  	[sflag:s19] =	ssyncset.done $0x0  }
0x2c: {  	[sflag:s19] =	ssyncadd.s32 $0xFFFFFE00  }
0x2d: {  	_ =	swait.ge [sflag:s19], $0x200  }
0x2e: {  	[sflag:s19] =	ssyncset.done $0x0  }
0x2f: {  	[sflag:s19] =	ssyncadd.s32 $0xFFFFFE00  }
0x30: {  	_ =	swait.ge [sflag:s19], $0x200  }
0x31: {  	[sflag:s19] =	ssyncset.done $0x0  }
0x32: {  	[sflag:s19] =	ssyncadd.s32 $0xFFFFFE00  }
0x33: {  	s29 =	simm.s32 $0x2600;
	s28 =	rddreg [dreg:$0x2]  }
0x34: {  	[tilespmem:s29], [sflag:$0x2] =	stream.indirect.gather [hbm4b:s28+s23], $0x1, s22, s23, $0xb8;
	[tilespmem:$0x4E00] =	vst v63  }
0x35: {  	s28 =	simm.s32 $0x0  }
0x36: {  	v0 =	vld [tilespmem:s28+$0x200]  }
0x37: {  	v1 =	vld [tilespmem:s28+$0xC00]  }
0x38: {  	v2 =	vld [tilespmem:s28+$0x400]  }
0x39: {  	v3 =	vld [tilespmem:s28+$0x600]  }
0x3a: {  	v4 =	vld [tilespmem:s28+$0x800]  }
0x3b: {  	v5 =	vld [tilespmem:s28+$0xA00];
	_ =	sdelay $0x1  }
0x3c: {  	v0 =	vmul.u32 $0xF4243, v0  }
0x3d: {  	v6 =	vmul.u32 $0x61, v1;
	v1 =	vmul.u32 $0xF4243, v1;
	v7 =	vmul.u32 $0x61, v2  }
0x3e: {  	v2 =	vmul.u32 $0x7A69, v2;
	v8 =	vmul.u32 $0x61, v3;
	v3 =	vmul.u32 $0xF4243, v3  }
0x3f: {  	v9 =	vmul.u32 $0x61, v4;
	v4 =	vmul.u32 $0xF4243, v4;
	v11 =	vmul.u32 $0x61, v5  }
0x40: {  	v5 =	vmul.u32 $0xF4243, v5;
	v6 =	vadd.s32 v0, v6;
	v8 =	vadd.s32 v0, v8  }
0x41: {  	v9 =	vadd.s32 v0, v9;
	v0 =	vadd.s32 v0, v11;
	v3 =	vadd.s32 v7, v3  }
0x42: {  	v4 =	vadd.s32 v7, v4;
	v5 =	vadd.s32 v7, v5;
	v1 =	vadd.s32 v7, v1  }
0x43: {  	v10 =	vadd.s32 v2, v6;
	v13 =	vadd.s32 v2, v9;
	v7 =	vsub.s32 $0x0, v8  }
0x44: {  	v17 =	vsub.s32 $0x0, v3;
	v18 =	vsub.s32 $0x0, v9;
	v19 =	vsub.s32 $0x0, v4  }
0x45: {  	v20 =	vsub.s32 $0x0, v0;
	v21 =	vsub.s32 $0x0, v5;
	v22 =	vsub.s32 $0x0, v6  }
0x46: {  	v23 =	vsub.s32 $0x0, v1;
	v12 =	vsub.s32 $0x0, v10;
	v15 =	vsub.s32 $0x0, v13  }
0x47: {  	v7 =	vmin.u32 v8, v7;
	v3 =	vmin.u32 v3, v17;
	v4 =	vmin.u32 v4, v19  }
0x48: {  	v5 =	vmin.u32 v5, v21;
	v6 =	vmin.u32 v6, v22;
	v1 =	vmin.u32 v1, v23  }
0x49: {  	v10 =	vmin.u32 v10, v12;
	v12 =	vadd.s32 v2, v8;
	v2 =	vadd.s32 v2, v0  }
0x4a: {  	v13 =	vmin.u32 v13, v15;
	v15 =	vcvt.s32.f32 v7;
	v17 =	vcvt.s32.f32 v3  }
0x4b: {  	v8 =	vmin.u32 v9, v18;
	v19 =	vcvt.s32.f32 v4;
	v21 =	vcvt.s32.f32 v5  }
0x4c: {  	v0 =	vmin.u32 v0, v20;
	v22 =	vcvt.s32.f32 v6;
	v23 =	vcvt.s32.f32 v1  }
0x4d: {  	v11 =	vcvt.s32.f32 v10;
	v14 =	vsub.s32 $0x0, v12;
	v18 =	vcvt.s32.f32 v8  }
0x4e: {  	v20 =	vcvt.s32.f32 v0;
	v12 =	vmin.u32 v12, v14;
	v14 =	vcvt.s32.f32 v13  }
0x4f: {  	v15 =	vmul.f32 $9.999999970e-07, v15;
	v17 =	vmul.f32 $9.999999970e-07, v17  }
0x50: {  	v19 =	vmul.f32 $9.999999970e-07, v19;
	v21 =	vmul.f32 $9.999999970e-07, v21  }
0x51: {  	v16 =	vsub.s32 $0x0, v2;
	v22 =	vmul.f32 $9.999999970e-07, v22;
	v23 =	vmul.f32 $9.999999970e-07, v23  }
0x52: {  	v2 =	vmin.u32 v2, v16;
	v11 =	vmul.f32 $9.999999970e-07, v11;
	v9 =	vcvt.s32.f32 v12  }
0x53: {  	v16 =	vcvt.s32.f32 v2;
	v18 =	vmul.f32 $9.999999970e-07, v18  }
0x54: {  	v20 =	vmul.f32 $9.999999970e-07, v20;
	v14 =	vmul.f32 $9.999999970e-07, v14  }
0x55: {  	v17 =	vtrunc.f32 v17;
	v47 =	vtrunc.f32 v19  }
0x56: {  	v49 =	vtrunc.f32 v21;
	v50 =	vtrunc.f32 v22  }
0x57: {  	v23 =	vtrunc.f32 v23;
	v11 =	vtrunc.f32 v11  }
0x58: {  	v9 =	vmul.f32 $9.999999970e-07, v9;
	v16 =	vmul.f32 $9.999999970e-07, v16  }
0x59: {  	v18 =	vtrunc.f32 v18;
	v48 =	vtrunc.f32 v20  }
0x5a: {  	v54 =	vcvt.f32.s32 v49;
	v11 =	vcvt.f32.s32 v11  }
0x5b: {  	v55 =	vcvt.f32.s32 v50;
	v56 =	vcvt.f32.s32 v23  }
0x5c: {  	v53 =	vcvt.f32.s32 v48;
	v9 =	vtrunc.f32 v9;
	v11 =	vmul.u32 $0xFFF0BDC0, v11  }
0x5d: {  	v52 =	vcvt.f32.s32 v18;
	v19 =	vmul.u32 $0xFFF0BDC0, v54;
	v9 =	vcvt.f32.s32 v9  }
0x5e: {  	v18 =	vmul.u32 $0xFFF0BDC0, v53;
	v10 =	vadd.s32 v10, v11;
	v11 =	vtrunc.f32 v14  }
0x5f: {  	v20 =	vmul.u32 $0xFFF0BDC0, v55;
	v14 =	vtrunc.f32 v15;
	v15 =	vtrunc.f32 v16  }
0x60: {  	v9 =	vmul.u32 $0xFFF0BDC0, v9;
	v16 =	vcvt.f32.s32 v47;
	v0 =	vadd.s32 v0, v18  }
0x61: {  	vm0 =	vlt.s32 v10, $0x0;
	v46 =	vadd.s32 $0xF4240, v10;
	v14 =	vcvt.f32.s32 v14  }
0x62: {  	vm7 =	vlt.s32 v0, $0x0;
	v61 =	vadd.s32 $0xF4240, v0;
	v10 =	vsel vm0, v46, v10  }
0x63: {  	v16 =	vmul.u32 $0xFFF0BDC0, v16;
	v9 =	vadd.s32 v12, v9;
	vm0 =	vgt.s32 v10, $0xF423F  }
0x64: {  	v51 =	vadd.s32 $0xFFF0BDC0, v10;
	v14 =	vmul.u32 $0xFFF0BDC0, v14;
	vm14 =	vlt.s32 v9, $0x0  }
0x65: {  	v22 =	vsel vm0, v51, v10;
	v10 =	vcvt.f32.s32 v11;
	v11 =	vcvt.f32.s32 v15  }
0x66: {  	v15 =	vcvt.f32.s32 v17;
	v17 =	vmul.u32 $0xFFF0BDC0, v52;
	v4 =	vadd.s32 v4, v16  }
0x67: {  	v7 =	vadd.s32 v7, v14;
	vm6 =	vlt.s32 v4, $0x0;
	v60 =	vadd.s32 $0xF4240, v4  }
0x68: {  	v10 =	vmul.u32 $0xFFF0BDC0, v10;
	v11 =	vmul.u32 $0xFFF0BDC0, v11;
	v15 =	vmul.u32 $0xFFF0BDC0, v15  }
0x69: {  	vm3 =	vlt.s32 v7, $0x0;
	v14 =	vadd.s32 $0xF4240, v7;
	v4 =	vsel vm6, v60, v4  }
0x6a: {  	v7 =	vsel vm3, v14, v7;
	v12 =	vadd.s32 v13, v10;
	v10 =	vmul.u32 $0xFFF0BDC0, v56  }
0x6b: {  	v3 =	vadd.s32 v3, v15;
	v2 =	vadd.s32 v2, v11;
	v11 =	vadd.s32 v8, v17  }
0x6c: {  	v13 =	vadd.s32 v5, v19;
	v15 =	vadd.s32 v6, v20;
	vm1 =	vlt.s32 v12, $0x0  }
0x6d: {  	v5 =	vadd.s32 $0xF4240, v12;
	vm2 =	vlt.s32 v2, $0x0;
	v6 =	vadd.s32 $0xF4240, v2  }
0x6e: {  	vm4 =	vlt.s32 v3, $0x0;
	v58 =	vadd.s32 $0xF4240, v3;
	vm5 =	vlt.s32 v11, $0x0  }
0x6f: {  	v59 =	vadd.s32 $0xF4240, v11;
	vm8 =	vlt.s32 v13, $0x0;
	v62 =	vadd.s32 $0xF4240, v13  }
0x70: {  	vm9 =	vlt.s32 v15, $0x0;
	v63 =	vadd.s32 $0xF4240, v15;
	v57 =	vadd.s32 v1, v10  }
0x71: {  	v1 =	vadd.s32 $0xF4240, v9;
	v8 =	vsel vm1, v5, v12;
	v5 =	vsel vm4, v58, v3  }
0x72: {  	v3 =	vsel vm7, v61, v0;
	v10 =	vsel vm14, v1, v9;
	vm15 =	vlt.s32 v57, $0x0  }
0x73: {  	s29 =	simm.s32 $0x10;
	[tilespmem:s28+$0x2400] =	vst v22;
	v12 =	vadd.s32 $0xF4240, v57;
	v9 =	vsel vm2, v6, v2;
	v6 =	vsel vm5, v59, v11  }
0x74: {  	s30 =	simm.s32 $0x80;
	v14 =	vld [tilespmem:s29+$0x200];
	v2 =	vsel vm8, v62, v13;
	v1 =	vsel vm9, v63, v15;
	v0 =	vsel vm15, v12, v57  }
.LBB2_2:
0x75: {  	p0 =	sne.s32 s30, $0x7C0;
	v15 =	vld [tilespmem:s29+$0xC00];
	vm7 =	vgt.s32 v10, $0xF423F;
	v24 =	vadd.s32 $0xFFF0BDC0, v10;
	vm6 =	vgt.s32 v8, $0xF423F  }
0x76: {  	v23 =	vadd.s32 $0xFFF0BDC0, v8;
	vm5 =	vgt.s32 v9, $0xF423F;
	v17 =	vadd.s32 $0xFFF0BDC0, v9;
	v18 =	vld [tilespmem:s29+$0x400]  }
0x77: {  	vm4 =	vgt.s32 v7, $0xF423F;
	v16 =	vadd.s32 $0xFFF0BDC0, v7;
	vm3 =	vgt.s32 v5, $0xF423F;
	v19 =	vld [tilespmem:s29+$0x600]  }
0x78: {  	v13 =	vadd.s32 $0xFFF0BDC0, v5;
	vm2 =	vgt.s32 v6, $0xF423F;
	v12 =	vadd.s32 $0xFFF0BDC0, v6;
	v20 =	vld [tilespmem:s29+$0x800]  }
0x79: {  	vm1 =	vgt.s32 v4, $0xF423F;
	v11 =	vadd.s32 $0xFFF0BDC0, v4;
	vm0 =	vgt.s32 v3, $0xF423F;
	v21 =	vld [tilespmem:s29+$0xA00]  }
0x7a: {  	v22 =	vmul.u32 $0xF4243, v14;
	v25 =	vmul.u32 $0x61, v15;
	v15 =	vmul.u32 $0xF4243, v15  }
0x7b: {  	v14 =	vadd.s32 $0xFFF0BDC0, v3;
	v26 =	vmul.u32 $0x61, v18;
	v18 =	vmul.u32 $0x7A69, v18  }
0x7c: {  	v27 =	vmul.u32 $0x61, v19;
	v19 =	vmul.u32 $0xF4243, v19;
	v28 =	vadd.s32 v22, v25  }
0x7d: {  	v25 =	vmul.u32 $0x61, v20;
	v20 =	vmul.u32 $0xF4243, v20;
	v29 =	vadd.s32 v18, v28  }
0x7e: {  	v30 =	vmul.u32 $0x61, v21;
	v21 =	vmul.u32 $0xF4243, v21;
	v31 =	vsub.s32 $0x0, v29  }
0x7f: {  	v27 =	vadd.s32 v22, v27;
	v25 =	vadd.s32 v22, v25;
	v29 =	vmin.u32 v29, v31  }
0x80: {  	v31 =	vadd.s32 v18, v27;
	v30 =	vadd.s32 v22, v30;
	v22 =	vcvt.s32.f32 v29  }
0x81: {  	v32 =	vadd.s32 v26, v19;
	v33 =	vadd.s32 v18, v25;
	v18 =	vadd.s32 v18, v30  }
0x82: {  	v34 =	vadd.s32 v26, v20;
	v35 =	vadd.s32 v26, v21;
	v19 =	vmul.f32 $9.999999970e-07, v22  }
0x83: {  	v36 =	vadd.s32 v26, v15;
	v20 =	vsub.s32 $0x0, v31;
	v21 =	vsub.s32 $0x0, v33  }
0x84: {  	v26 =	vsub.s32 $0x0, v27;
	v15 =	vsub.s32 $0x0, v18;
	v19 =	vtrunc.f32 v19  }
0x85: {  	v37 =	vsub.s32 $0x0, v32;
	v38 =	vsub.s32 $0x0, v25;
	v19 =	vcvt.f32.s32 v19  }
0x86: {  	v39 =	vsub.s32 $0x0, v34;
	v40 =	vsub.s32 $0x0, v30;
	v41 =	vsub.s32 $0x0, v35  }
0x87: {  	v42 =	vsub.s32 $0x0, v28;
	v44 =	vsub.s32 $0x0, v36;
	v43 =	vmul.u32 $0xFFF0BDC0, v19  }
0x88: {  	v22 =	vmin.u32 v33, v21;
	v15 =	vmin.u32 v18, v15;
	v19 =	vmin.u32 v31, v20  }
0x89: {  	v18 =	vmin.u32 v27, v26;
	v20 =	vmin.u32 v32, v37;
	v27 =	vadd.s32 v29, v43  }
0x8a: {  	v21 =	vmin.u32 v25, v38;
	vm8 =	vlt.s32 v27, $0x0;
	v29 =	vadd.s32 $0xF4240, v27  }
0x8b: {  	v25 =	vmin.u32 v34, v39;
	v26 =	vmin.u32 v30, v40;
	v27 =	vsel vm8, v29, v27  }
0x8c: {  	v29 =	vmin.u32 v35, v41;
	vm8 =	vgt.s32 v27, $0xF423F;
	v30 =	vadd.s32 $0xFFF0BDC0, v27  }
0x8d: {  	v28 =	vmin.u32 v28, v42;
	v27 =	vsel vm8, v30, v27;
	v30 =	vmin.u32 v36, v44  }
0x8e: {  	v32 =	vcvt.s32.f32 v22;
	v31 =	vcvt.s32.f32 v19;
	vm8 =	vgt.s32 v2, $0xF423F;
	[tilespmem:s29+$0x2400] =	vst v27  }
0x8f: {  	v34 =	vadd.s32 $0xFFF0BDC0, v2;
	v33 =	vcvt.s32.f32 v15;
	v27 =	vcvt.s32.f32 v18  }
0x90: {  	vm9 =	vgt.s32 v1, $0xF423F;
	v35 =	vcvt.s32.f32 v20;
	v36 =	vcvt.s32.f32 v21  }
0x91: {  	v39 =	vadd.s32 $0xFFF0BDC0, v1;
	v38 =	vcvt.s32.f32 v26;
	v37 =	vcvt.s32.f32 v25  }
0x92: {  	vm10 =	vgt.s32 v0, $0xF423F;
	v41 =	vcvt.s32.f32 v28;
	v40 =	vcvt.s32.f32 v29  }
0x93: {  	v43 =	vadd.s32 $0xFFF0BDC0, v0;
	v31 =	vmul.f32 $9.999999970e-07, v31;
	v42 =	vcvt.s32.f32 v30  }
0x94: {  	v10 =	vsel vm7, v24, v10;
	v33 =	vmul.f32 $9.999999970e-07, v33;
	v32 =	vmul.f32 $9.999999970e-07, v32  }
0x95: {  	v8 =	vsel vm6, v23, v8;
	v24 =	vmul.f32 $9.999999970e-07, v27;
	v27 =	vmul.f32 $9.999999970e-07, v35;
	[tilespmem:s28+$0x1E00] =	vst v10  }
0x96: {  	v23 =	vmul.f32 $9.999999970e-07, v37;
	v10 =	vmul.f32 $9.999999970e-07, v36;
	[tilespmem:s28+$0x2000] =	vst v8;
	v8 =	vsel vm5, v17, v9  }
0x97: {  	v7 =	vsel vm4, v16, v7;
	v9 =	vmul.f32 $9.999999970e-07, v38;
	v17 =	vmul.f32 $9.999999970e-07, v40;
	[tilespmem:s28+$0x2200] =	vst v8  }
0x98: {  	v5 =	vsel vm3, v13, v5;
	v16 =	vmul.f32 $9.999999970e-07, v42;
	v8 =	vmul.f32 $9.999999970e-07, v41;
	[tilespmem:s28+$0xE00] =	vst v7  }
0x99: {  	v13 =	vtrunc.f32 v32;
	v7 =	vtrunc.f32 v31;
	[tilespmem:s28+$0x1600] =	vst v5;
	v5 =	vsel vm2, v12, v6  }
0x9a: {  	v4 =	vsel vm1, v11, v4;
	v6 =	vtrunc.f32 v24;
	v12 =	vtrunc.f32 v33;
	[tilespmem:s28+$0x1000] =	vst v5  }
0x9b: {  	v3 =	vsel vm0, v14, v3;
	v10 =	vtrunc.f32 v10;
	v5 =	vtrunc.f32 v27;
	[tilespmem:s28+$0x1800] =	vst v4  }
0x9c: {  	v2 =	vsel vm8, v34, v2;
	v9 =	vtrunc.f32 v9;
	v4 =	vtrunc.f32 v23;
	[tilespmem:s28+$0x1200] =	vst v3  }
0x9d: {  	v1 =	vsel vm9, v39, v1;
	v8 =	vtrunc.f32 v8;
	v3 =	vtrunc.f32 v17;
	[tilespmem:s28+$0x1A00] =	vst v2  }
0x9e: {  	v0 =	vsel vm10, v43, v0;
	v2 =	vcvt.f32.s32 v7;
	v7 =	vtrunc.f32 v16;
	[tilespmem:s28+$0x1400] =	vst v1  }
0x9f: {  	v11 =	vcvt.f32.s32 v12;
	v1 =	vcvt.f32.s32 v13;
	[tilespmem:s28+$0x1C00] =	vst v0;
	s28 =	smov.u32 s29  }
0xa0: {  	v5 =	vcvt.f32.s32 v5;
	v0 =	vcvt.f32.s32 v6;
	v2 =	vmul.u32 $0xFFF0BDC0, v2  }
0xa1: {  	v4 =	vcvt.f32.s32 v4;
	v6 =	vcvt.f32.s32 v10;
	v1 =	vmul.u32 $0xFFF0BDC0, v1  }
0xa2: {  	v9 =	vcvt.f32.s32 v9;
	v3 =	vcvt.f32.s32 v3;
	v10 =	vmul.u32 $0xFFF0BDC0, v11  }
0xa3: {  	v8 =	vcvt.f32.s32 v8;
	v7 =	vcvt.f32.s32 v7;
	v0 =	vmul.u32 $0xFFF0BDC0, v0  }
0xa4: {  	v5 =	vmul.u32 $0xFFF0BDC0, v5;
	v4 =	vmul.u32 $0xFFF0BDC0, v4;
	v6 =	vmul.u32 $0xFFF0BDC0, v6  }
0xa5: {  	v9 =	vmul.u32 $0xFFF0BDC0, v9;
	v8 =	vmul.u32 $0xFFF0BDC0, v8;
	v3 =	vmul.u32 $0xFFF0BDC0, v3  }
0xa6: {  	v7 =	vmul.u32 $0xFFF0BDC0, v7;
	v2 =	vadd.s32 v19, v2;
	v1 =	vadd.s32 v22, v1  }
0xa7: {  	v5 =	vadd.s32 v20, v5;
	v11 =	vadd.s32 v15, v10;
	v0 =	vadd.s32 v18, v0  }
0xa8: {  	v12 =	vadd.s32 v26, v9;
	v4 =	vadd.s32 v25, v4;
	v6 =	vadd.s32 v21, v6  }
0xa9: {  	v13 =	vadd.s32 v29, v3;
	v15 =	vadd.s32 v28, v8;
	v16 =	vadd.s32 v30, v7  }
0xaa: {  	vm0 =	vlt.s32 v2, $0x0;
	v3 =	vadd.s32 $0xF4240, v2;
	vm1 =	vlt.s32 v1, $0x0  }
0xab: {  	vm2 =	vlt.s32 v11, $0x0;
	v9 =	vadd.s32 $0xF4240, v11;
	v7 =	vadd.s32 $0xF4240, v1  }
0xac: {  	vm4 =	vlt.s32 v5, $0x0;
	vm3 =	vlt.s32 v0, $0x0;
	v14 =	vadd.s32 $0xF4240, v0  }
0xad: {  	v17 =	vadd.s32 $0xF4240, v5;
	vm5 =	vlt.s32 v6, $0x0;
	v18 =	vadd.s32 $0xF4240, v6  }
0xae: {  	vm7 =	vlt.s32 v12, $0x0;
	vm6 =	vlt.s32 v4, $0x0;
	v19 =	vadd.s32 $0xF4240, v4  }
0xaf: {  	v20 =	vadd.s32 $0xF4240, v12;
	vm8 =	vlt.s32 v13, $0x0;
	v21 =	vadd.s32 $0xF4240, v13  }
.Ltmp0:
0xb0: {  	vm9 =	vlt.s32 v15, $0x0;
	v22 =	vadd.s32 $0xF4240, v15;
	vm10 =	vlt.s32 v16, $0x0;
	(pc) =	sbr.rel @p0 .LBB2_2-.Ltmp0, $4  }
0xb1: {  	v10 =	vsel vm0, v3, v2;
	v23 =	vadd.s32 $0xF4240, v16;
	v8 =	vsel vm1, v7, v1  }
0xb2: {  	v5 =	vsel vm4, v17, v5;
	v9 =	vsel vm2, v9, v11;
	v7 =	vsel vm3, v14, v0  }
0xb3: {  	s29 =	sshra.s32 s30, $0x2;
	v4 =	vsel vm6, v19, v4;
	v3 =	vsel vm7, v20, v12;
	v6 =	vsel vm5, v18, v6  }
0xb4: {  	s30 =	sadd.s32 $0x40, s30;
	v2 =	vsel vm8, v21, v13;
	v1 =	vsel vm9, v22, v15;
	v0 =	vsel vm10, v23, v16;
	v14 =	vld [tilespmem:s29+$0x200]  }
0xb5: {  	v11 =	vld [tilespmem:s29+$0xC00];
	vm7 =	vgt.s32 v10, $0xF423F  }
0xb6: {  	v12 =	vadd.s32 $0xFFF0BDC0, v10;
	vm4 =	vgt.s32 v8, $0xF423F;
	v13 =	vld [tilespmem:s29+$0x400];
	v15 =	vadd.s32 $0xFFF0BDC0, v8  }
0xb7: {  	vm5 =	vgt.s32 v9, $0xF423F;
	v16 =	vadd.s32 $0xFFF0BDC0, v9;
	v17 =	vld [tilespmem:s29+$0x600];
	vm6 =	vgt.s32 v7, $0xF423F  }
0xb8: {  	v18 =	vadd.s32 $0xFFF0BDC0, v7;
	vm1 =	vgt.s32 v5, $0xF423F;
	v19 =	vld [tilespmem:s29+$0x800];
	v20 =	vadd.s32 $0xFFF0BDC0, v5  }
0xb9: {  	vm2 =	vgt.s32 v6, $0xF423F;
	v21 =	vadd.s32 $0xFFF0BDC0, v6;
	v22 =	vld [tilespmem:s29+$0xA00];
	vm3 =	vgt.s32 v4, $0xF423F  }
0xba: {  	v23 =	vadd.s32 $0xFFF0BDC0, v4;
	vm0 =	vgt.s32 v3, $0xF423F;
	v26 =	vadd.s32 $0xFFF0BDC0, v3  }
0xbb: {  	vm15 =	vgt.s32 v2, $0xF423F;
	v53 =	vadd.s32 $0xFFF0BDC0, v2;
	v14 =	vmul.u32 $0xF4243, v14  }
0xbc: {  	v24 =	vmul.u32 $0x61, v11;
	v11 =	vmul.u32 $0xF4243, v11;
	v25 =	vmul.u32 $0x61, v13  }
0xbd: {  	v13 =	vmul.u32 $0x7A69, v13;
	v27 =	vmul.u32 $0x61, v17;
	v17 =	vmul.u32 $0xF4243, v17  }
0xbe: {  	v28 =	vmul.u32 $0x61, v19;
	v19 =	vmul.u32 $0xF4243, v19;
	v30 =	vmul.u32 $0x61, v22  }
0xbf: {  	v22 =	vmul.u32 $0xF4243, v22;
	v24 =	vadd.s32 v14, v24;
	v27 =	vadd.s32 v14, v27  }
0xc0: {  	v28 =	vadd.s32 v14, v28;
	v14 =	vadd.s32 v14, v30;
	v17 =	vadd.s32 v25, v17  }
0xc1: {  	v19 =	vadd.s32 v25, v19;
	v22 =	vadd.s32 v25, v22;
	v11 =	vadd.s32 v25, v11  }
0xc2: {  	v29 =	vadd.s32 v13, v24;
	v45 =	vadd.s32 v13, v27;
	v32 =	vadd.s32 v13, v28  }
0xc3: {  	v13 =	vadd.s32 v13, v14;
	v47 =	vsub.s32 $0x0, v27;
	v36 =	vsub.s32 $0x0, v17  }
0xc4: {  	v37 =	vsub.s32 $0x0, v28;
	v38 =	vsub.s32 $0x0, v19;
	v39 =	vsub.s32 $0x0, v14  }
0xc5: {  	v40 =	vsub.s32 $0x0, v22;
	v41 =	vsub.s32 $0x0, v24;
	v42 =	vsub.s32 $0x0, v11  }
0xc6: {  	v31 =	vsub.s32 $0x0, v29;
	v33 =	vsub.s32 $0x0, v45;
	v34 =	vsub.s32 $0x0, v32  }
0xc7: {  	v35 =	vsub.s32 $0x0, v13;
	v25 =	vmin.u32 v27, v47;
	v17 =	vmin.u32 v17, v36  }
0xc8: {  	v28 =	vmin.u32 v28, v37;
	v19 =	vmin.u32 v19, v38;
	v14 =	vmin.u32 v14, v39  }
0xc9: {  	v22 =	vmin.u32 v22, v40;
	v24 =	vmin.u32 v24, v41;
	v51 =	vcvt.s32.f32 v25  }
0xca: {  	v11 =	vmin.u32 v11, v42;
	v36 =	vcvt.s32.f32 v17;
	v37 =	vcvt.s32.f32 v28  }
0xcb: {  	v29 =	vmin.u32 v29, v31;
	v38 =	vcvt.s32.f32 v19;
	v39 =	vcvt.s32.f32 v14  }
0xcc: {  	v31 =	vmin.u32 v45, v33;
	v55 =	vcvt.s32.f32 v22;
	v56 =	vcvt.s32.f32 v24  }
0xcd: {  	v32 =	vmin.u32 v32, v34;
	v43 =	vcvt.s32.f32 v11;
	v46 =	vcvt.s32.f32 v29  }
0xce: {  	v13 =	vmin.u32 v13, v35;
	v49 =	vcvt.s32.f32 v31;
	v50 =	vcvt.s32.f32 v32  }
0xcf: {  	vm9 =	vgt.s32 v1, $0xF423F;
	v52 =	vcvt.s32.f32 v13;
	v33 =	vmul.f32 $9.999999970e-07, v51  }
0xd0: {  	v8 =	vsel vm4, v15, v8;
	v36 =	vmul.f32 $9.999999970e-07, v36;
	v15 =	vmul.f32 $9.999999970e-07, v37  }
0xd1: {  	v9 =	vsel vm5, v16, v9;
	v57 =	vmul.f32 $9.999999970e-07, v38;
	v16 =	vmul.f32 $9.999999970e-07, v39  }
0xd2: {  	v7 =	vsel vm6, v18, v7;
	v58 =	vmul.f32 $9.999999970e-07, v55;
	v18 =	vmul.f32 $9.999999970e-07, v56  }
0xd3: {  	v54 =	vadd.s32 $0xFFF0BDC0, v1;
	v59 =	vmul.f32 $9.999999970e-07, v43;
	v30 =	vmul.f32 $9.999999970e-07, v46  }
0xd4: {  	v6 =	vsel vm2, v21, v6;
	v34 =	vmul.f32 $9.999999970e-07, v52;
	v21 =	vtrunc.f32 v33  }
0xd5: {  	v4 =	vsel vm3, v23, v4;
	v23 =	vtrunc.f32 v36;
	v15 =	vtrunc.f32 v15  }
0xd6: {  	vm10 =	vgt.s32 v0, $0xF423F;
	v62 =	vtrunc.f32 v57;
	v16 =	vtrunc.f32 v16  }
0xd7: {  	v10 =	vsel vm7, v12, v10;
	v63 =	vtrunc.f32 v58;
	v18 =	vtrunc.f32 v18  }
0xd8: {  	v12 =	vadd.s32 $0xFFF0BDC0, v0;
	v36 =	vtrunc.f32 v59;
	v30 =	vtrunc.f32 v30  }
0xd9: {  	v5 =	vsel vm1, v20, v5;
	v61 =	vtrunc.f32 v34;
	v21 =	vcvt.f32.s32 v21  }
0xda: {  	v3 =	vsel vm0, v26, v3;
	v23 =	vcvt.f32.s32 v23;
	v15 =	vcvt.f32.s32 v15  }
0xdb: {  	v2 =	vsel vm15, v53, v2;
	v26 =	vcvt.f32.s32 v62;
	v16 =	vcvt.f32.s32 v16  }
0xdc: {  	v1 =	vsel vm9, v54, v1;
	v38 =	vcvt.f32.s32 v63;
	v18 =	vcvt.f32.s32 v18  }
0xdd: {  	v0 =	vsel vm10, v12, v0;
	v39 =	vcvt.f32.s32 v36;
	v30 =	vcvt.f32.s32 v30  }
0xde: {  	v37 =	vcvt.f32.s32 v61;
	v21 =	vmul.u32 $0xFFF0BDC0, v21;
	v23 =	vmul.u32 $0xFFF0BDC0, v23  }
0xdf: {  	v15 =	vmul.u32 $0xFFF0BDC0, v15;
	v26 =	vmul.u32 $0xFFF0BDC0, v26;
	v16 =	vmul.u32 $0xFFF0BDC0, v16  }
0xe0: {  	v18 =	vmul.u32 $0xFFF0BDC0, v18;
	v40 =	vmul.u32 $0xFFF0BDC0, v39;
	v30 =	vmul.u32 $0xFFF0BDC0, v30  }
0xe1: {  	v21 =	vadd.s32 v25, v21;
	v17 =	vadd.s32 v17, v23;
	v15 =	vadd.s32 v28, v15  }
0xe2: {  	v19 =	vadd.s32 v19, v26;
	v14 =	vadd.s32 v14, v16;
	v18 =	vadd.s32 v24, v18  }
0xe3: {  	v11 =	vadd.s32 v11, v40;
	v48 =	vadd.s32 v29, v30;
	v30 =	vmul.f32 $9.999999970e-07, v50  }
0xe4: {  	vm3 =	vlt.s32 v21, $0x0;
	vm8 =	vlt.s32 v48, $0x0;
	v29 =	vadd.s32 $0xF4240, v48  }
0xe5: {  	v41 =	vadd.s32 $0xF4240, v21;
	vm4 =	vlt.s32 v17, $0x0;
	v27 =	vsel vm8, v29, v48  }
0xe6: {  	vm5 =	vlt.s32 v15, $0x0;
	vm8 =	vgt.s32 v27, $0xF423F;
	v29 =	vadd.s32 $0xFFF0BDC0, v27  }
0xe7: {  	vm6 =	vlt.s32 v19, $0x0;
	v42 =	vadd.s32 $0xF4240, v19;
	v27 =	vsel vm8, v29, v27  }
0xe8: {  	vm12 =	vlt.s32 v14, $0x0;
	v60 =	vtrunc.f32 v30;
	v30 =	vmul.u32 $0xFFF0BDC0, v38;
	[tilespmem:s29+$0x2400] =	vst v27  }
0xe9: {  	vm14 =	vlt.s32 v18, $0x0;
	v12 =	vcvt.f32.s32 v60;
	v29 =	vmul.f32 $9.999999970e-07, v49;
	[tilespmem:s28+$0x2000] =	vst v8  }
0xea: {  	v43 =	vadd.s32 $0xF4240, v18;
	vm15 =	vlt.s32 v11, $0x0;
	v16 =	vadd.s32 v22, v30;
	[tilespmem:s28+$0x2200] =	vst v9  }
0xeb: {  	v12 =	vmul.u32 $0xFFF0BDC0, v12;
	vm13 =	vlt.s32 v16, $0x0;
	v20 =	vtrunc.f32 v29;
	[tilespmem:s28+$0xE00] =	vst v7  }
0xec: {  	v29 =	vmul.u32 $0xFFF0BDC0, v37;
	v8 =	vadd.s32 $0xF4240, v17;
	v9 =	vadd.s32 $0xF4240, v15;
	[tilespmem:s28+$0x1600] =	vst v5  }
0xed: {  	v7 =	vadd.s32 $0xF4240, v14;
	v5 =	vadd.s32 $0xF4240, v16;
	[tilespmem:s28+$0x1800] =	vst v4;
	v4 =	vadd.s32 $0xF4240, v11  }
0xee: {  	v20 =	vcvt.f32.s32 v20;
	v12 =	vadd.s32 v32, v12;
	v8 =	vsel vm4, v8, v17  }
0xef: {  	[tilespmem:s28+$0x1A00] =	vst v2;
	v9 =	vsel vm5, v9, v15;
	v2 =	vsel vm12, v7, v14;
	v5 =	vsel vm13, v5, v16  }
0xf0: {  	[tilespmem:s28+$0x1400] =	vst v1;
	v7 =	vsel vm14, v43, v18;
	v1 =	vsel vm15, v4, v11;
	v13 =	vadd.s32 v13, v29  }
0xf1: {  	vm1 =	vlt.s32 v12, $0x0;
	v23 =	vadd.s32 $0xF4240, v12;
	v20 =	vmul.u32 $0xFFF0BDC0, v20  }
0xf2: {  	[tilespmem:s28+$0x1E00] =	vst v10;
	vm9 =	vgt.s32 v8, $0xF423F;
	vm2 =	vlt.s32 v13, $0x0;
	v10 =	vadd.s32 $0xF4240, v13  }
0xf3: {  	[tilespmem:s28+$0x1200] =	vst v3;
	v12 =	vsel vm1, v23, v12;
	v3 =	vsel vm2, v10, v13;
	v20 =	vadd.s32 v31, v20  }
0xf4: {  	[tilespmem:s28+$0x1000] =	vst v6;
	vm1 =	vgt.s32 v12, $0xF423F;
	vm0 =	vlt.s32 v20, $0x0;
	v22 =	vadd.s32 $0xF4240, v20  }
0xf5: {  	[tilespmem:s28+$0x1C00] =	vst v0;
	v0 =	vadd.s32 $0xFFF0BDC0, v12;
	vm7 =	vgt.s32 v3, $0xF423F;
	v6 =	vsel vm0, v22, v20  }
0xf6: {  	v0 =	vsel vm1, v0, v12;
	vm0 =	vgt.s32 v6, $0xF423F;
	v4 =	vadd.s32 $0xFFF0BDC0, v6  }
0xf7: {  	[tilespmem:s29+$0x2000] =	vst v0;
	v20 =	vsel vm3, v41, v21;
	v4 =	vsel vm0, v4, v6;
	v6 =	vadd.s32 $0xFFF0BDC0, v3  }
0xf8: {  	vm8 =	vgt.s32 v20, $0xF423F;
	[tilespmem:s29+$0x1E00] =	vst v4;
	v4 =	vadd.s32 $0xFFF0BDC0, v20;
	v0 =	vsel vm7, v6, v3  }
0xf9: {  	vm10 =	vgt.s32 v9, $0xF423F;
	v3 =	vadd.s32 $0xFFF0BDC0, v8;
	v4 =	vsel vm8, v4, v20;
	[tilespmem:s29+$0x2200] =	vst v0  }
0xfa: {  	v10 =	vsel vm6, v42, v19;
	v0 =	vadd.s32 $0xFFF0BDC0, v9;
	v3 =	vsel vm9, v3, v8;
	[tilespmem:s29+$0xE00] =	vst v4  }
0xfb: {  	vm11 =	vgt.s32 v10, $0xF423F;
	v4 =	vadd.s32 $0xFFF0BDC0, v10;
	[tilespmem:s29+$0x1600] =	vst v3;
	v0 =	vsel vm10, v0, v9  }
0xfc: {  	vm12 =	vgt.s32 v2, $0xF423F;
	v3 =	vadd.s32 $0xFFF0BDC0, v2;
	[tilespmem:s29+$0x1000] =	vst v0;
	v0 =	vsel vm11, v4, v10  }
0xfd: {  	vm13 =	vgt.s32 v5, $0xF423F;
	v4 =	vadd.s32 $0xFFF0BDC0, v5;
	[tilespmem:s29+$0x1800] =	vst v0;
	v0 =	vsel vm12, v3, v2  }
0xfe: {  	vm14 =	vgt.s32 v7, $0xF423F;
	v2 =	vadd.s32 $0xFFF0BDC0, v7;
	[tilespmem:s29+$0x1200] =	vst v0;
	v0 =	vsel vm13, v4, v5  }
0xff: {  	vm15 =	vgt.s32 v1, $0xF423F;
	v3 =	vadd.s32 $0xFFF0BDC0, v1;
	[tilespmem:s29+$0x1A00] =	vst v0;
	v0 =	vsel vm14, v2, v7  }
0x100: {  	[tilespmem:s29+$0x1400] =	vst v0;
	v0 =	vsel vm15, v3, v1  }
0x101: {  	s30 =	simm.s32 $0x2E00;
	s28 =	rddreg [dreg:$0x3];
	[tilespmem:s29+$0x1C00] =	vst v0;
	s29 =	simm.s32 $0xE00  }
0x102: {  	[tilespmem:s30], [sflag:$0x2] =	stream.indirect.gather [hbm4b:s28+s23], $0x1, s29, s23, $0xb8;
	[tilespmem:$0x4E00] =	vst v63  }
0x103: {  	s28 =	rddreg [dreg:$0x4];
	s29 =	simm.s32 $0x1600;
	s30 =	simm.s32 $0x3600  }
0x104: {  	[tilespmem:s30], [sflag:$0x2] =	stream.indirect.gather [hbm4b:s28+s23], $0x1, s29, s23, $0xb8;
	[tilespmem:$0x4E00] =	vst v63  }
0x105: {  	s28 =	rddreg [dreg:$0x5]  }
0x106: {  	[tilespmem:s4], [sflag:$0x2] =	stream.indirect.gather [hbm4b:s28+s23], $0x1, s0, s23, $0xb8;
	[tilespmem:$0x4E00] =	vst v63  }
0x107: {  	_ =	swait.ge [sflag:s1], $0x800  }
0x108: {  	[sflag:s1] =	ssyncset.done $0x0  }
0x109: {  	[sflag:s1] =	ssyncadd.s32 $0xFFFFF800  }
0x10a: {  	_ =	swait.ge [sflag:s1], $0x800  }
0x10b: {  	[sflag:s1] =	ssyncset.done $0x0  }
0x10c: {  	[sflag:s1] =	ssyncadd.s32 $0xFFFFF800  }
0x10d: {  	_ =	swait.ge [sflag:s1], $0x800  }
0x10e: {  	[sflag:s1] =	ssyncset.done $0x0  }
0x10f: {  	[sflag:s1] =	ssyncadd.s32 $0xFFFFF800  }
0x110: {  	_ =	swait.ge [sflag:s1], $0x800  }
0x111: {  	[sflag:s1] =	ssyncset.done $0x0  }
0x112: {  	s28 =	simm.s32 $0x0;
	[sflag:s1] =	ssyncadd.s32 $0xFFFFF800  }
0x113: {  	v0 =	vld [tilespmem:s28+$0x4200]  }
0x114: {  	v1 =	vld [tilespmem:s28+$0x3C00]  }
0x115: {  	v2 =	vld [tilespmem:s28+$0x3200]  }
0x116: {  	v3 =	vld [tilespmem:s28+$0x4400]  }
0x117: {  	v4 =	vld [tilespmem:s28+$0x3A00]  }
0x118: {  	v5 =	vld [tilespmem:s28+$0x2A00]  }
0x119: {  	v6 =	vld [tilespmem:s28+$0x4000]  }
0x11a: {  	v7 =	vld [tilespmem:s28+$0x3600]  }
0x11b: {  	v8 =	vld [tilespmem:s28+$0x3400]  }
0x11c: {  	v9 =	vld [tilespmem:s28+$0x3800]  }
0x11d: {  	v11 =	vld [tilespmem:s28+$0x2600]  }
0x11e: {  	s29 =	simm.s32 $0x10;
	v12 =	vld [tilespmem:s28+$0x2C00];
	v1 =	vadd.f32 $5.000000000e+00, v1  }
0x11f: {  	v22 =	vld [tilespmem:s29+$0x4000];
	v3 =	vadd.f32 $5.000000000e+00, v3;
	v4 =	vadd.f32 $5.000000000e+00, v4  }
0x120: {  	v10 =	vld [tilespmem:s28+$0x3E00];
	v2 =	vadd.f32 $5.000000000e+00, v2;
	v5 =	vadd.f32 $5.000000000e+00, v5  }
0x121: {  	v14 =	vld [tilespmem:s28+$0x2E00];
	v0 =	vadd.f32 $5.000000000e+00, v0;
	v7 =	vadd.f32 $5.000000000e+00, v7  }
0x122: {  	v15 =	vld [tilespmem:s28+$0x2800];
	v8 =	vadd.f32 $5.000000000e+00, v8;
	v9 =	vadd.f32 $5.000000000e+00, v9  }
0x123: {  	v6 =	vadd.f32 $5.000000000e+00, v6;
	v12 =	vadd.f32 $5.000000000e+00, v12  }
0x124: {  	v11 =	vadd.f32 $5.000000000e+00, v11;
	v22 =	vadd.f32 $5.000000000e+00, v22  }
0x125: {  	v13 =	vadd.f32 v1, v4;
	v16 =	vadd.f32 v3, v0  }
0x126: {  	v18 =	vld [tilespmem:s28+$0x3000];
	v17 =	vadd.f32 v8, v2;
	v1 =	vmul.f32 v3, v1;
	v3 =	vadd.f32 $5.000000000e+00, v10  }
0x127: {  	v23 =	vld [tilespmem:s29+$0x3E00];
	v10 =	vadd.f32 $5.000000000e+00, v14;
	v14 =	vadd.f32 $5.000000000e+00, v15  }
0x128: {  	v0 =	vmul.f32 v0, v4;
	v4 =	vadd.f32 v12, v5;
	v2 =	vmul.f32 v2, v5  }
0x129: {  	v5 =	vadd.f32 v9, v7;
	v8 =	vmul.f32 v8, v12;
	v12 =	vadd.f32 v14, v11  }
0x12a: {  	v7 =	vmul.f32 v3, v7;
	v3 =	vadd.f32 v6, v3;
	v0 =	vmul.f32 v0, v2  }
0x12b: {  	v15 =	vld [tilespmem:s29+$0x2A00];
	v2 =	vadd.f32 v13, v5;
	v5 =	vadd.f32 $5.000000000e+00, v18;
	v6 =	vmul.f32 v6, v9  }
0x12c: {  	v23 =	vadd.f32 $5.000000000e+00, v23;
	v9 =	vmul.f32 v10, v11;
	v1 =	vmul.f32 v1, v8  }
0x12d: {  	v4 =	vadd.f32 v4, v12;
	v3 =	vadd.f32 v16, v3;
	v11 =	vmul.f32 v5, v14  }
0x12e: {  	v5 =	vadd.f32 v5, v10;
	v10 =	vadd.s32 $0xC0CAFB0D, v0;
	v7 =	vmul.f32 v7, v9  }
0x12f: {  	v9 =	vadd.s32 $0xC0CAFB0D, v1;
	v8 =	vand.u32 $0xFF800000, v10;
	v10 =	vshra.s32 v10, $0x17  }
0x130: {  	v15 =	vadd.f32 $5.000000000e+00, v15;
	v2 =	vmul.f32 v3, v2;
	v3 =	vadd.f32 v17, v5  }
0x131: {  	v5 =	vadd.s32 $0xC0CAFB0D, v7;
	v6 =	vmul.f32 v6, v11;
	v0 =	vsub.s32 v0, v8  }
0x132: {  	v10 =	vcvt.s32.f32 v10;
	v11 =	vand.u32 $0xFF800000, v5;
	v12 =	vadd.f32 $1.000000000e+00, v0  }
0x133: {  	v3 =	vmul.f32 v3, v4;
	v4 =	vand.u32 $0xFF800000, v9;
	v8 =	vadd.s32 $0xC0CAFB0D, v6  }
0x134: {  	v18 =	vld [tilespmem:s29+$0x3400];
	v1 =	vsub.s32 v1, v4;
	v4 =	vand.u32 $0xFF800000, v8;
	(erf) = vrcp.f32 v12  }
0x135: {  	v45 =	vld [tilespmem:s29+$0x2600];
	v2 =	vmul.f32 v2, v3;
	v3 =	vadd.f32 $1.000000000e+00, v1;
	v4 =	vsub.s32 v6, v4  }
0x136: {  	v5 =	vshra.s32 v5, $0x17;
	v0 =	vadd.f32 $-1.000000000e+00, v0;
	v6 =	vadd.f32 $1.000000000e+00, v4  }
0x137: {  	v14 =	vld [tilespmem:s29+$0x3A00];
	v7 =	vsub.s32 v7, v11;
	v12 =	vadd.s32 $0xC0CAFB0D, v2;
	(erf) = vrcp.f32 v3  }
0x138: {  	v13 =	vadd.f32 $1.000000000e+00, v7;
	v11 =	vand.u32 $0xFF800000, v12;
	(erf) = vrcp.f32 v6;
	v6 =	vld [tilespmem:s29+$0x4200]  }
0x139: {  	v18 =	vadd.f32 $5.000000000e+00, v18;
	v5 =	vcvt.s32.f32 v5;
	v3 =	vsub.s32 v2, v11;
	v11 =	vld [tilespmem:s29+$0x3C00]  }
0x13a: {  	v51 =	vmul.f32 $6.931471820e-01, v10;
	v10 =	vadd.f32 $5.000000000e+00, v45;
	(erf) = vrcp.f32 v13;
	v13 =	vld [tilespmem:s29+$0x4400]  }
0x13b: {  	v9 =	vshra.s32 v9, $0x17;
	v7 =	vadd.f32 $-1.000000000e+00, v7;
	v2 =	vadd.f32 $1.000000000e+00, v3  }
0x13c: {  	v9 =	vcvt.s32.f32 v9;
	v14 =	vadd.f32 $5.000000000e+00, v14;
	v58 =	vmul.f32 $6.931471820e-01, v5  }
0x13d: {  	(erf) = vrcp.f32 v2;
	v2 =	vadd.f32 $-1.000000000e+00, v1;
	v1 =	vshra.s32 v8, $0x17;
	v8 =	vld [tilespmem:s29+$0x3200];
	v16 =	vpop (erf)  }
0x13e: {  	v17 =	vld [tilespmem:s29+$0x3600];
	v12 =	vshra.s32 v12, $0x17;
	v6 =	vadd.f32 $5.000000000e+00, v6;
	v16 =	vmul.f32 v16, v0  }
0x13f: {  	v12 =	vcvt.s32.f32 v12;
	v11 =	vadd.f32 $5.000000000e+00, v11;
	v13 =	vadd.f32 $5.000000000e+00, v13  }
0x140: {  	v4 =	vadd.f32 $-1.000000000e+00, v4;
	v1 =	vcvt.s32.f32 v1;
	v21 =	vmul.f32 v16, v16  }
0x141: {  	v0 =	vpop (erf);
	v44 =	vadd.f32 v11, v14;
	v11 =	vmul.f32 v13, v11;
	v13 =	vadd.f32 v13, v6  }
0x142: {  	v20 =	vld [tilespmem:s29+$0x3800];
	v6 =	vmul.f32 v6, v14;
	v19 =	vpop (erf);
	v2 =	vmul.f32 v0, v2;
	v8 =	vadd.f32 $5.000000000e+00, v8  }
0x143: {  	v17 =	vadd.f32 $5.000000000e+00, v17;
	v0 =	vmul.f32 $6.931471820e-01, v9;
	v9 =	vpop (erf);
	v47 =	vmul.f32 $4.000000060e-01, v21  }
0x144: {  	v7 =	vmul.f32 v9, v7;
	v9 =	vld [tilespmem:s29+$0x2C00];
	v14 =	vadd.f32 v18, v8;
	v8 =	vmul.f32 v8, v15  }
0x145: {  	v3 =	vadd.f32 $-1.000000000e+00, v3;
	v5 =	vmul.f32 $6.931471820e-01, v12;
	v1 =	vmul.f32 $6.931471820e-01, v1  }
0x146: {  	v55 =	vld [tilespmem:s29+$0x3000];
	v19 =	vmul.f32 v19, v4;
	v27 =	vadd.f32 $6.666666860e-01, v47;
	v4 =	vpop (erf);
	v8 =	vmul.f32 v6, v8  }
0x147: {  	v48 =	vld [tilespmem:s29+$0x2800];
	v46 =	vmul.f32 v4, v3;
	v4 =	vadd.f32 $5.000000000e+00, v20;
	v20 =	vmul.f32 v7, v7  }
0x148: {  	v61 =	vmul.f32 v19, v19;
	v21 =	vmul.f32 v27, v21;
	v60 =	vadd.s32 $0xC0CAFB0D, v8  }
0x149: {  	v49 =	vmul.f32 v46, v46;
	v50 =	vmul.f32 $4.000000060e-01, v20;
	v9 =	vadd.f32 $5.000000000e+00, v9  }
0x14a: {  	v3 =	vld [tilespmem:s29+$0x2E00];
	v56 =	vadd.f32 v4, v17;
	v17 =	vmul.f32 v23, v17;
	v23 =	vadd.f32 v22, v23  }
0x14b: {  	v22 =	vmul.f32 v22, v4;
	v4 =	vadd.f32 $2.000000000e+00, v21;
	v21 =	vadd.f32 $5.000000000e+00, v55  }
0x14c: {  	v52 =	vmul.f32 $4.000000060e-01, v49;
	v53 =	vadd.f32 v9, v15;
	v15 =	vadd.f32 $5.000000000e+00, v48  }
0x14d: {  	v54 =	vadd.f32 $6.666666860e-01, v50;
	v9 =	vmul.f32 v18, v9;
	v18 =	vmul.f32 v2, v2  }
0x14e: {  	v6 =	vadd.f32 v44, v56;
	v13 =	vadd.f32 v13, v23;
	v16 =	vmul.f32 v4, v16  }
0x14f: {  	v23 =	vand.u32 $0xFF800000, v60;
	v4 =	vmul.f32 $4.000000060e-01, v61;
	v3 =	vadd.f32 $5.000000000e+00, v3  }
0x150: {  	v57 =	vadd.f32 v15, v10;
	v59 =	vmul.f32 $4.000000060e-01, v18;
	v12 =	vmul.f32 v54, v20  }
0x151: {  	v15 =	vmul.f32 v21, v15;
	v13 =	vmul.f32 v13, v6;
	v6 =	vadd.f32 $6.666666860e-01, v52  }
0x152: {  	v9 =	vmul.f32 v11, v9;
	v10 =	vmul.f32 v3, v10;
	v21 =	vadd.f32 v21, v3  }
0x153: {  	v3 =	vshra.s32 v60, $0x17;
	v20 =	vadd.f32 v53, v57;
	v11 =	vmul.f32 v6, v49  }
0x154: {  	v15 =	vmul.f32 v22, v15;
	v62 =	vmul.f32 v17, v10;
	v10 =	vadd.f32 $2.000000000e+00, v12  }
0x155: {  	v12 =	vadd.f32 $6.666666860e-01, v4;
	v14 =	vadd.f32 v14, v21;
	v4 =	vadd.s32 $0xC0CAFB0D, v9  }
0x156: {  	v21 =	vadd.f32 $6.666666860e-01, v59;
	v22 =	vadd.f32 $2.000000000e+00, v11;
	v17 =	vadd.s32 $0xC0CAFB0D, v62  }
0x157: {  	v14 =	vmul.f32 v14, v20;
	v20 =	vmul.f32 v10, v7;
	v7 =	vadd.s32 $0xC0CAFB0D, v15  }
0x158: {  	v6 =	vshra.s32 v17, $0x17;
	v63 =	vand.u32 $0xFF800000, v17;
	v17 =	vand.u32 $0xFF800000, v4  }
0x159: {  	v11 =	vmul.f32 v12, v61;
	v10 =	vsub.s32 v9, v17;
	v9 =	vsub.s32 v8, v23  }
0x15a: {  	v8 =	vand.u32 $0xFF800000, v7;
	v14 =	vmul.f32 v13, v14;
	v13 =	vadd.f32 v16, v51  }
0x15b: {  	v27 =	vadd.f32 $2.000000000e+00, v11;
	v16 =	vmul.f32 v21, v18;
	v12 =	vadd.f32 $1.000000000e+00, v9  }
0x15c: {  	v11 =	vadd.f32 v20, v58;
	v20 =	vmul.f32 v22, v46;
	v8 =	vsub.s32 v15, v8  }
0x15d: {  	v23 =	vadd.f32 $1.000000000e+00, v10;
	v17 =	vadd.f32 $1.000000000e+00, v8;
	(erf) = vrcp.f32 v12  }
0x15e: {  	v15 =	vadd.s32 $0xC0CAFB0D, v14;
	v18 =	vmul.f32 v27, v19;
	v12 =	vsub.s32 v62, v63  }
0x15f: {  	s30 =	simm.s32 $0x80;
	v21 =	vand.u32 $0xFF800000, v15;
	v19 =	vadd.f32 $1.000000000e+00, v12;
	(erf) = vrcp.f32 v23  }
.LBB2_4:
0x160: {  	s31 =	sshra.s32 s30, $0x2;
	p0 =	sne.s32 s30, $0x7C0;
	s30 =	sadd.s32 $0x40, s30;
	v14 =	vsub.s32 v14, v21;
	(erf) = vrcp.f32 v17;
	v16 =	vadd.f32 $2.000000000e+00, v16  }
0x161: {  	v15 =	vshra.s32 v15, $0x17;
	v17 =	vld [tilespmem:s31+$0x4200];
	v21 =	vadd.f32 $1.000000000e+00, v14;
	v5 =	vadd.f32 v20, v5  }
0x162: {  	v1 =	vadd.f32 v18, v1;
	v20 =	vld [tilespmem:s31+$0x3C00];
	(erf) = vrcp.f32 v19;
	v2 =	vmul.f32 v16, v2  }
0x163: {  	v10 =	vadd.f32 $-1.000000000e+00, v10;
	v15 =	vcvt.s32.f32 v15;
	v16 =	vld [tilespmem:s31+$0x3200];
	v13 =	vsub.f32 v13, v5  }
0x164: {  	v1 =	vsub.f32 v1, v5;
	v18 =	vld [tilespmem:s31+$0x4400];
	(erf) = vrcp.f32 v21;
	v0 =	vadd.f32 v2, v0  }
0x165: {  	v6 =	vcvt.s32.f32 v6;
	v7 =	vshra.s32 v7, $0x17;
	v11 =	vsub.f32 v11, v5;
	v2 =	vld [tilespmem:s31+$0x3A00];
	[tilespmem:s28+$0x4A00] =	vst v13  }
0x166: {  	v9 =	vadd.f32 $-1.000000000e+00, v9;
	v7 =	vcvt.s32.f32 v7;
	v13 =	vld [tilespmem:s31+$0x2A00];
	v19 =	vpop (erf);
	[tilespmem:s28+$0x4800] =	vst v1;
	v0 =	vsub.f32 v0, v5  }
0x167: {  	v12 =	vadd.f32 $-1.000000000e+00, v12;
	v3 =	vcvt.s32.f32 v3;
	v22 =	vshra.s32 v4, $0x17;
	v5 =	vld [tilespmem:s31+$0x4000];
	[tilespmem:s28+$0x4600] =	vst v11  }
0x168: {  	v8 =	vadd.f32 $-1.000000000e+00, v8;
	v20 =	vadd.f32 $5.000000000e+00, v20;
	v9 =	vmul.f32 v19, v9;
	v11 =	vld [tilespmem:s31+$0x3600];
	v19 =	vpop (erf);
	[tilespmem:s28+$0x4C00] =	vst v0;
	s28 =	smov.u32 s29;
	s29 =	smov.u32 s31  }
0x169: {  	v1 =	vmul.f32 $6.931471820e-01, v7;
	v0 =	vcvt.s32.f32 v22;
	v21 =	vld [tilespmem:s29+$0x3400];
	v18 =	vadd.f32 $5.000000000e+00, v18;
	v4 =	vpop (erf)  }
0x16a: {  	v23 =	vmul.f32 v9, v9;
	v7 =	vld [tilespmem:s29+$0x3800];
	v22 =	vadd.f32 $5.000000000e+00, v2;
	v2 =	vmul.f32 v19, v10  }
0x16b: {  	v14 =	vadd.f32 $-1.000000000e+00, v14;
	v16 =	vadd.f32 $5.000000000e+00, v16;
	v0 =	vmul.f32 $6.931471820e-01, v0;
	v10 =	vld [tilespmem:s29+$0x3E00];
	v19 =	vpop (erf)  }
0x16c: {  	v17 =	vadd.f32 $5.000000000e+00, v17;
	v13 =	vadd.f32 $5.000000000e+00, v13;
	v24 =	vld [tilespmem:s29+$0x2600];
	v12 =	vmul.f32 v19, v12  }
0x16d: {  	v26 =	vmul.f32 v4, v8;
	v25 =	vadd.f32 v20, v22;
	v20 =	vmul.f32 v18, v20;
	v19 =	vld [tilespmem:s29+$0x2C00];
	v4 =	vpop (erf)  }
0x16e: {  	v11 =	vadd.f32 $5.000000000e+00, v11;
	v8 =	vld [tilespmem:s29+$0x2E00];
	v21 =	vadd.f32 $5.000000000e+00, v21;
	v27 =	vmul.f32 v4, v14  }
0x16f: {  	v28 =	vmul.f32 $4.000000060e-01, v23;
	v14 =	vmul.f32 v12, v12;
	v4 =	vld [tilespmem:s29+$0x2800];
	v7 =	vadd.f32 $5.000000000e+00, v7  }
0x170: {  	v30 =	vadd.f32 $5.000000000e+00, v5;
	v18 =	vadd.f32 v18, v17;
	v5 =	vmul.f32 v17, v22;
	v29 =	vld [tilespmem:s29+$0x3000]  }
0x171: {  	v17 =	vadd.f32 v21, v16;
	v22 =	vmul.f32 v27, v27;
	v31 =	vmul.f32 $4.000000060e-01, v14  }
0x172: {  	v32 =	vmul.f32 $6.931471820e-01, v3;
	v28 =	vadd.f32 $6.666666860e-01, v28;
	v19 =	vadd.f32 $5.000000000e+00, v19  }
0x173: {  	v10 =	vadd.f32 $5.000000000e+00, v10;
	v3 =	vadd.f32 $5.000000000e+00, v24;
	v24 =	vmul.f32 $4.000000060e-01, v22  }
0x174: {  	v8 =	vadd.f32 $5.000000000e+00, v8;
	v33 =	vadd.f32 v19, v13;
	v13 =	vmul.f32 v16, v13  }
0x175: {  	v23 =	vmul.f32 v28, v23;
	v4 =	vadd.f32 $5.000000000e+00, v4;
	v16 =	vadd.f32 $6.666666860e-01, v31  }
0x176: {  	v28 =	vadd.f32 v7, v11;
	v19 =	vmul.f32 v21, v19;
	v21 =	vmul.f32 v2, v2  }
0x177: {  	v34 =	vmul.f32 $6.931471820e-01, v6;
	v11 =	vmul.f32 v10, v11;
	v31 =	vadd.f32 v4, v3  }
0x178: {  	v6 =	vadd.f32 v30, v10;
	v13 =	vmul.f32 v5, v13;
	v35 =	vmul.f32 $4.000000060e-01, v21  }
0x179: {  	v10 =	vadd.f32 v25, v28;
	v5 =	vmul.f32 $6.931471820e-01, v15;
	v14 =	vmul.f32 v16, v14  }
0x17a: {  	v7 =	vmul.f32 v30, v7;
	v16 =	vadd.f32 $2.000000000e+00, v23;
	v15 =	vadd.f32 v33, v31  }
0x17b: {  	v28 =	vmul.f32 v26, v26;
	v23 =	vadd.f32 $5.000000000e+00, v29;
	v25 =	vadd.s32 $0xC0CAFB0D, v13  }
0x17c: {  	v6 =	vadd.f32 v18, v6;
	v3 =	vmul.f32 v8, v3;
	v16 =	vmul.f32 v16, v9  }
0x17d: {  	v9 =	vmul.f32 v23, v4;
	v4 =	vmul.f32 $4.000000060e-01, v28;
	v18 =	vand.u32 $0xFF800000, v25  }
0x17e: {  	v8 =	vadd.f32 v23, v8;
	v23 =	vmul.f32 v6, v10;
	v6 =	vadd.f32 $6.666666860e-01, v24  }
0x17f: {  	v24 =	vmul.f32 v11, v3;
	v10 =	vmul.f32 v20, v19;
	v3 =	vshra.s32 v25, $0x17  }
0x180: {  	v14 =	vadd.f32 $2.000000000e+00, v14;
	v11 =	vmul.f32 v6, v22;
	v19 =	vadd.f32 $6.666666860e-01, v4  }
0x181: {  	v8 =	vadd.f32 v17, v8;
	v17 =	vadd.s32 $0xC0CAFB0D, v24;
	v4 =	vadd.s32 $0xC0CAFB0D, v10  }
0x182: {  	v6 =	vshra.s32 v17, $0x17;
	v20 =	vand.u32 $0xFF800000, v17;
	v17 =	vmul.f32 v7, v9  }
0x183: {  	v12 =	vmul.f32 v14, v12;
	v9 =	vand.u32 $0xFF800000, v4;
	v8 =	vmul.f32 v8, v15  }
0x184: {  	v10 =	vsub.s32 v10, v9;
	v22 =	vadd.f32 $2.000000000e+00, v11;
	v7 =	vadd.s32 $0xC0CAFB0D, v17  }
0x185: {  	v9 =	vsub.s32 v13, v18;
	v11 =	vmul.f32 v19, v28;
	v25 =	vadd.f32 $1.000000000e+00, v10  }
0x186: {  	v15 =	vadd.f32 $6.666666860e-01, v35;
	v18 =	vadd.f32 $1.000000000e+00, v9;
	v13 =	vand.u32 $0xFF800000, v7  }
.Ltmp1:
0x187: {  	v14 =	vmul.f32 v23, v8;
	v8 =	vsub.s32 v17, v13;
	v13 =	vadd.f32 v16, v32;
	(pc) =	sbr.rel @p0 .LBB2_4-.Ltmp1, $4  }
0x188: {  	v19 =	vadd.f32 $2.000000000e+00, v11;
	v16 =	vmul.f32 v15, v21;
	v17 =	vadd.f32 $1.000000000e+00, v8  }
0x189: {  	v11 =	vadd.f32 v12, v34;
	v15 =	vadd.s32 $0xC0CAFB0D, v14;
	(erf) = vrcp.f32 v18  }
0x18a: {  	v12 =	vsub.s32 v24, v20;
	v21 =	vand.u32 $0xFF800000, v15;
	v18 =	vmul.f32 v19, v26  }
0x18b: {  	v20 =	vmul.f32 v22, v27;
	v19 =	vadd.f32 $1.000000000e+00, v12;
	(erf) = vrcp.f32 v25  }
0x18c: {  	v14 =	vsub.s32 v14, v21  }
0x18d: {  	(erf) = vrcp.f32 v17;
	v43 =	vadd.f32 $1.000000000e+00, v14  }
0x18e: {  	(erf) = vrcp.f32 v19  }
0x18f: {  	(erf) = vrcp.f32 v43;
	_ =	sdelay $0x3  }
0x190: {  	v16 =	vadd.f32 $2.000000000e+00, v16;
	v1 =	vadd.f32 v18, v1  }
0x191: {  	v15 =	vshra.s32 v15, $0x17;
	v10 =	vadd.f32 $-1.000000000e+00, v10;
	v9 =	vadd.f32 $-1.000000000e+00, v9;
	v44 =	vpop (erf)  }
0x192: {  	v6 =	vcvt.s32.f32 v6;
	v7 =	vshra.s32 v7, $0x17;
	v8 =	vadd.f32 $-1.000000000e+00, v8;
	v45 =	vpop (erf)  }
0x193: {  	v3 =	vcvt.s32.f32 v3;
	v4 =	vshra.s32 v4, $0x17;
	v15 =	vcvt.s32.f32 v15;
	v46 =	vpop (erf)  }
0x194: {  	v14 =	vadd.f32 $-1.000000000e+00, v14;
	v7 =	vcvt.s32.f32 v7;
	v9 =	vmul.f32 v44, v9;
	v19 =	vpop (erf)  }
0x195: {  	v5 =	vadd.f32 v20, v5;
	v4 =	vcvt.s32.f32 v4;
	v2 =	vmul.f32 v16, v2;
	v47 =	vpop (erf)  }
0x196: {  	v12 =	vadd.f32 $-1.000000000e+00, v12;
	v48 =	vmul.f32 v9, v9;
	v14 =	vmul.f32 v47, v14  }
0x197: {  	v13 =	vsub.f32 v13, v5;
	v10 =	vmul.f32 v45, v10;
	v49 =	vmul.f32 v46, v8  }
0x198: {  	v1 =	vsub.f32 v1, v5;
	v12 =	vmul.f32 v19, v12;
	v50 =	vmul.f32 v14, v14  }
0x199: {  	v0 =	vadd.f32 v2, v0;
	v51 =	vmul.f32 $4.000000060e-01, v48;
	v53 =	vmul.f32 v49, v49  }
0x19a: {  	v11 =	vsub.f32 v11, v5;
	v19 =	vmul.f32 v12, v12;
	v52 =	vmul.f32 $4.000000060e-01, v50  }
0x19b: {  	v0 =	vsub.f32 v0, v5;
	v54 =	vmul.f32 v10, v10;
	v55 =	vmul.f32 $4.000000060e-01, v53  }
0x19c: {  	v16 =	vadd.f32 $6.666666860e-01, v51;
	v56 =	vmul.f32 $4.000000060e-01, v19;
	v5 =	vadd.f32 $6.666666860e-01, v52  }
0x19d: {  	v3 =	vmul.f32 $6.931471820e-01, v3;
	v57 =	vmul.f32 $4.000000060e-01, v54;
	v21 =	vadd.f32 $6.666666860e-01, v55  }
0x19e: {  	v16 =	vmul.f32 v16, v48;
	v17 =	vadd.f32 $6.666666860e-01, v56;
	v5 =	vmul.f32 v5, v50  }
0x19f: {  	v6 =	vmul.f32 $6.931471820e-01, v6;
	v8 =	vadd.f32 $6.666666860e-01, v57;
	v18 =	vmul.f32 v21, v53  }
0x1a0: {  	v16 =	vadd.f32 $2.000000000e+00, v16;
	v17 =	vmul.f32 v17, v19;
	v5 =	vadd.f32 $2.000000000e+00, v5  }
0x1a1: {  	v15 =	vmul.f32 $6.931471820e-01, v15;
	v8 =	vmul.f32 v8, v54;
	v18 =	vadd.f32 $2.000000000e+00, v18  }
0x1a2: {  	v9 =	vmul.f32 v16, v9;
	v58 =	vadd.f32 $2.000000000e+00, v17;
	v5 =	vmul.f32 v5, v14  }
0x1a3: {  	v7 =	vmul.f32 $6.931471820e-01, v7;
	v8 =	vadd.f32 $2.000000000e+00, v8;
	v2 =	vmul.f32 v18, v49  }
0x1a4: {  	[tilespmem:s28+$0x4A00] =	vst v13;
	v3 =	vadd.f32 v9, v3;
	v12 =	vmul.f32 v58, v12;
	v5 =	vadd.f32 v5, v15  }
0x1a5: {  	v59 =	vmul.f32 $6.931471820e-01, v4;
	[tilespmem:s28+$0x4800] =	vst v1;
	v60 =	vmul.f32 v8, v10;
	v2 =	vadd.f32 v2, v7  }
0x1a6: {  	[tilespmem:s28+$0x4600] =	vst v11;
	v6 =	vadd.f32 v12, v6;
	v3 =	vsub.f32 v3, v5  }
0x1a7: {  	[tilespmem:s28+$0x4C00] =	vst v0;
	v1 =	vadd.f32 v60, v59;
	v61 =	vsub.f32 v2, v5  }
0x1a8: {  	v62 =	vsub.f32 v6, v5;
	[tilespmem:s29+$0x4A00] =	vst v3  }
0x1a9: {  	v63 =	vsub.f32 v1, v5;
	[tilespmem:s29+$0x4800] =	vst v61  }
0x1aa: {  	[tilespmem:s29+$0x4600] =	vst v62  }
0x1ab: {  	[tilespmem:s29+$0x4C00] =	vst v63  }
0x1ac: {  	[hbm4b:s13+s2] =	stream.strided.scatter [tilespmem:s3], [sflag:$0x3], $0x200, s20, s2, $0x38;
	[tilespmem:$0x4E00] =	vst v63  }
0x1ad: {  	_ = 	snop  }
0x1ae: {  	[hbm4b:s15+s2] =	stream.strided.scatter [tilespmem:s5], [sflag:$0x3], $0x200, s20, s2, $0x38;
	[tilespmem:$0x4E00] =	vst v63  }
0x1af: {  	_ = 	snop  }
0x1b0: {  	[hbm4b:s16+s2] =	stream.strided.scatter [tilespmem:s21], [sflag:$0x3], $0x200, s20, s2, $0x38;
	[tilespmem:$0x4E00] =	vst v63  }
0x1b1: {  	_ = 	snop  }
0x1b2: {  	[hbm4b:s17+s2] =	stream.strided.scatter [tilespmem:s24], [sflag:$0x3], $0x200, s20, s2, $0x38;
	[tilespmem:$0x4E00] =	vst v63  }
0x1b3: {  	_ =	swait.ge [sflag:s25], $0x200  }
0x1b4: {  	[sflag:s25] =	ssyncset.done $0x0  }
0x1b5: {  	[sflag:s25] =	ssyncadd.s32 $0xFFFFFE00  }
0x1b6: {  	_ =	swait.ge [sflag:s25], $0x200  }
0x1b7: {  	[sflag:s25] =	ssyncset.done $0x0  }
0x1b8: {  	s26 =	sadd.s32 $0x1, s26;
	[sflag:s25] =	ssyncadd.s32 $0xFFFFFE00  }
0x1b9: {  	p0 =	sne.s32 s26, s18;
	_ =	swait.ge [sflag:s25], $0x200  }
.Ltmp2:
0x1ba: {  	[sflag:s25] =	ssyncset.done $0x0;
	(pc) =	sbr.rel @p0 .LBB2_1-.Ltmp2, $4  }
0x1bb: {  	[sflag:s25] =	ssyncadd.s32 $0xFFFFFE00  }
0x1bc: {  	_ =	swait.ge [sflag:s25], $0x200  }
0x1bd: {  	[sflag:s25] =	ssyncset.done $0x0  }
0x1be: {  	[sflag:s25] =	ssyncadd.s32 $0xFFFFFE00  }
0x1bf: {  	_ =	sfence.sel $0x180000  }
0x1c0: {  	[bflag:$0x0] =	sbarrier.arrive $0xFFFF  }
0x1c1: {  	_ =	strace $0x90000047  }
0x1c2: {  	s0 =	stileid.u32;
	[bflag:$0x2] =	sbarrier.arrive $0xFFFF  }
0x1c3: {  	p0 =	sne.s32 s0, $0x0;
	s0 =	rddreg [dreg:$0x7]  }
0x1c4: {  	s0 =	sadd.s32 @!p0 $0x100000, s0  }
0x1c5: {  	[sflag:s0] =	ssyncadd.tile.s32 @!p0 $0x1;
	_ =	shalt  }
.Lfunc_end2:
_tile_overlayer_lowered:
.L_overlay_start_2:
0x1c6: {  	(tag) =	ssettag $0x2  }
0x1c7: {  	s0 =	rddreg [dreg:$0x0];
	s2 =	stileid.u32  }
0x1c8: {  	s1 =	rddreg [dreg:$0x1];
	p0 =	sne.s32 s2, $0x0  }
0x1c9: {  	s3 =	rddreg [dreg:$0x2];
	[bflag:$0x3] =	sbarrier.arrive $0xFFFF;
	s2 =	simm.s32 @!p0 $0x1C04  }
0x1ca: {  	[timem:s3], [sflag:s2] =	dma.local @!p0 [hbm:s0], s1  }
0x1cb: {  	s0 =	simm.s32 @!p0 $0x4  }
0x1cc: {  	_ =	swait.ge @!p0 [sflag:s0], s1  }
0x1cd: {  	s1 =	ssub.s32 @!p0 $0x0, s1;
	[sflag:s0] =	ssyncset.done @!p0 $0x0  }
0x1ce: {  	[sflag:s0] =	ssyncadd.s32 @!p0 s1  }
0x1cf: {  	[bflag:$0x3] =	sbarrier.arrive $0xFFFF  }
0x1d0: {  	_ =	shalt  }

</sc_bundles>
